<compile_context>
chip_gen: v7x
topology: tpu7x:2x2x1
jax: 0.10.2.dev20260603
libtpu: 0.0.44.dev20260713+nightly
codegen_flags: <defaults>
</compile_context>

<pallas_src>
import functools

import jax
import jax.numpy as jnp
import numpy as np
from jax import lax
from jax.experimental import pallas as pl
from jax.experimental.pallas import tpu as pltpu
from jax.experimental.pallas import tpu_sc as plsc

GAMMA = 12.0
EMB_INIT = 0.0546875
N_NODES = 10000
N_EDGES = 160000
D = 256

NC = 2
NS = 16
NW = NC * NS
NSLAB = 5
SLAB = N_EDGES // NSLAB
EPW = SLAB // NW
CHUNK = 40
NCHUNK = EPW // CHUNK


def _sc_gather(node_emb, src, dst):
    mesh = plsc.VectorSubcoreMesh(core_axis_name="c", subcore_axis_name="s")

    @functools.partial(
        pl.kernel,
        mesh=mesh,
        out_type=[
            jax.ShapeDtypeStruct((SLAB, D // 2), jnp.int32),
            jax.ShapeDtypeStruct((SLAB, D // 2), jnp.int32),
        ],
        scratch_types=[
            pltpu.VMEM((EPW,), jnp.int32),
            pltpu.VMEM((EPW,), jnp.int32),
            pltpu.VMEM((CHUNK, D // 2), jnp.int32),
            pltpu.VMEM((CHUNK, D // 2), jnp.int32),
            pltpu.SemaphoreType.DMA,
            pltpu.SemaphoreType.DMA,
        ],
    )
    def gather_kernel(node_hbm, src_hbm, dst_hbm, h_hbm, t_hbm,
                      sidx, didx, hrows, trows, sem_h, sem_t):
        wid = lax.axis_index("s") * NC + lax.axis_index("c")
        base0 = wid * EPW
        pltpu.sync_copy(src_hbm.at[pl.ds(base0, EPW)], sidx)
        pltpu.sync_copy(dst_hbm.at[pl.ds(base0, EPW)], didx)

        def body(i, carry):
            off = i * CHUNK
            cp_h = pltpu.async_copy(
                node_hbm.at[sidx.at[pl.ds(off, CHUNK)]], hrows, sem_h)
            cp_t = pltpu.async_copy(
                node_hbm.at[didx.at[pl.ds(off, CHUNK)]], trows, sem_t)
            cp_h.wait()
            cp_t.wait()
            pltpu.sync_copy(hrows, h_hbm.at[pl.ds(base0 + off, CHUNK)])
            pltpu.sync_copy(trows, t_hbm.at[pl.ds(base0 + off, CHUNK)])
            return carry

        lax.fori_loop(0, NCHUNK, body, 0)

    return gather_kernel(node_emb, src, dst)


_S1, _S3, _S5, _S7 = (np.float32(9.99997486e-01), np.float32(-1.66651677e-01),
                      np.float32(8.30951228e-03), np.float32(-1.84470858e-04))
_C0, _C2, _C4, _C6, _C8 = (np.float32(9.99999967e-01), np.float32(-4.99999269e-01),
                           np.float32(4.16640906e-02), np.float32(-1.38574158e-03),
                           np.float32(2.32374970e-05))
_PI_HI = np.float32(3.140625)
_PI_LO = np.float32(np.pi - 3.140625)


def _fast_sincos(phase):
    q = phase * np.float32(1.0 / np.pi)
    n = jnp.round(q)
    r = (phase - n * _PI_HI) - n * _PI_LO
    r2 = r * r
    s = r * (_S1 + r2 * (_S3 + r2 * (_S5 + r2 * _S7)))
    c = _C0 + r2 * (_C2 + r2 * (_C4 + r2 * (_C6 + r2 * _C8)))
    ni = n.astype(jnp.int32)
    mask = jax.lax.shift_left(ni, 31)
    s = jax.lax.bitcast_convert_type(
        jax.lax.bitcast_convert_type(s, jnp.int32) ^ mask, jnp.float32)
    c = jax.lax.bitcast_convert_type(
        jax.lax.bitcast_convert_type(c, jnp.int32) ^ mask, jnp.float32)
    return s, c


def _tc_score(h, t, edge_emb):
    B = 6400
    d = D // 2

    def unpack(w):
        re = jax.lax.bitcast_convert_type(jax.lax.shift_left(w, 16), jnp.float32)
        im = jax.lax.bitcast_convert_type(
            w & np.int32(np.uint32(0xFFFF0000)), jnp.float32)
        return re, im

    def body(h_ref, t_ref, e_ref, o_ref):
        hr, hi = unpack(h_ref[...])
        tr, ti = unpack(t_ref[...])
        ev = e_ref[...]
        delta = (ev[:, :d] - ev[:, d:]) * np.float32(np.pi / EMB_INIT)
        sd, cd = _fast_sincos(delta)
        u = hr * tr + hi * ti
        v = hi * tr - hr * ti
        norm = (hr * hr + hi * hi) + (tr * tr + ti * ti)
        sq = norm - 2.0 * (u * cd - v * sd)
        sc = jnp.sqrt(jnp.maximum(sq, 0.0))
        s = GAMMA - jnp.sum(sc, axis=1)
        o_ref[...] = s.reshape(1, B // 256, 256)

    out = pl.pallas_call(
        body,
        grid=(SLAB // B,),
        in_specs=[
            pl.BlockSpec((B, d), lambda i: (i, 0)),
            pl.BlockSpec((B, d), lambda i: (i, 0)),
            pl.BlockSpec((B, D), lambda i: (i, 0)),
        ],
        out_specs=pl.BlockSpec((1, B // 256, 256), lambda i: (i, 0, 0)),
        out_shape=jax.ShapeDtypeStruct(
            (SLAB // B, B // 256, 256), jnp.float32),
    )(h, t, edge_emb)
    return out.reshape(SLAB)


def kernel(node_emb, edge_emb, edge_index):
    src = edge_index[0]
    dst = edge_index[1]
    node_bf = node_emb.astype(jnp.bfloat16)
    node_i32 = jax.lax.bitcast_convert_type(
        jnp.stack([node_bf[:, :D // 2], node_bf[:, D // 2:]], axis=-1),
        jnp.int32)
    outs = []
    for s in range(NSLAB):
        lo = s * SLAB
        h, t = _sc_gather(node_i32, src[lo:lo + SLAB], dst[lo:lo + SLAB])
        outs.append(_tc_score(h, t, edge_emb[lo:lo + SLAB]))
    return jnp.concatenate(outs)

# --- scband reference (transcript-rebuilt; emitter-appended) ---
"""Pipeline reference for scband-pair-rotat-escore-10239202033719 (READ-ONLY COPY).

The authoritative reference and input builder live on the scoring server;
editing this copy changes nothing except your own understanding.
"""

import jax, jax.numpy as jnp
import numpy as np

GAMMA = 12.0
EMB_INIT = 0.0546875
N_NODES = 10000
N_EDGES = 160000
D = 256

def setup_inputs(seed: int = 0) -> dict:
    key = jax.random.key(seed)
    k1, k2, k3 = jax.random.split(key, 3)
    node_emb = jax.random.normal(k1, (N_NODES, D), dtype=jnp.float32)
    edge_emb = jax.random.normal(k2, (N_EDGES, D), dtype=jnp.float32)
    edge_index = jax.random.randint(k3, (2, N_EDGES), 0, N_NODES, dtype=jnp.int32)
    return {"node_emb": node_emb, "edge_emb": edge_emb, "edge_index": edge_index}

def reference(node_emb, edge_emb, edge_index):
    src = edge_index[0]
    dst = edge_index[1]
    h = jnp.take(node_emb, src, axis=0)   # gather src 'emb'
    t = jnp.take(node_emb, dst, axis=0)   # gather dst 'emb'
    d = h.shape[-1] // 2
    re_head, im_head = h[..., :d], h[..., d:]
    re_tail, im_tail = t[..., :d], t[..., d:]
    phase_rel = edge_emb / (EMB_INIT / np.pi)
    re_rel = jnp.cos(phase_rel)
    im_rel = jnp.sin(phase_rel)
    re_relation_head, re_relation_tail = re_rel[..., :d], re_rel[..., d:]
    im_relation_head, im_relation_tail = im_rel[..., :d], im_rel[..., d:]
    head_re_score = re_head * re_relation_head - im_head * im_relation_head
    head_im_score = re_head * im_relation_head + im_head * re_relation_head
    tail_re_score = re_tail * re_relation_tail - im_tail * im_relation_tail
    tail_im_score = re_tail * im_relation_tail + im_tail * re_relation_tail
    re_score = head_re_score - tail_re_score
    im_score = head_im_score - tail_im_score
    score = jnp.sqrt(re_score * re_score + im_score * im_score)
    return GAMMA - score.sum(-1)

if __name__ == "__main__":
    import jax
    _d = setup_inputs()
    print(jax.jit(kernel)(*tuple(_d.values())))

</pallas_src>

<mosaic_0001>
#map = affine_map<(d0, d1) -> (0, 0)>
#map1 = affine_map<(d0, d1) -> (0)>
module attributes {stable_mosaic.version = 14 : i64} {
  func.func @gather_kernel(%arg0: i32, %arg1: i32, %arg2: memref<10000x128xi32, #tpu.memory_space<hbm>>, %arg3: memref<32000xi32, #tpu.memory_space<hbm>>, %arg4: memref<32000xi32, #tpu.memory_space<hbm>>, %arg5: memref<32000x128xi32, #tpu.memory_space<hbm>>, %arg6: memref<32000x128xi32, #tpu.memory_space<hbm>>, %arg7: memref<1000xi32, #tpu.memory_space<vmem>>, %arg8: memref<1000xi32, #tpu.memory_space<vmem>>, %arg9: memref<40x128xi32, #tpu.memory_space<vmem>>, %arg10: memref<40x128xi32, #tpu.memory_space<vmem>>, %arg11: memref<!tpu.dma_semaphore, #tpu.memory_space<semaphore_mem>>, %arg12: memref<!tpu.dma_semaphore, #tpu.memory_space<semaphore_mem>>) attributes {dimension_semantics = [#tpu.dimension_semantics<core_parallel>, #tpu.dimension_semantics<subcore_parallel>], iteration_bounds = array<i64: 2, 16>, scalar_prefetch = 0 : i64, scratch_operands = 6 : i64, tpu.core_type = #tpu.core_type<sc_vector_subcore>, window_params = [{transform_indices = #map}, {transform_indices = #map1}, {transform_indices = #map1}, {transform_indices = #map}, {transform_indices = #map}]} {
    %mul3A = arith.constant 2 : i32
    %mul3A_0 = arith.muli %arg1, %mul3A : i32
    %add3A = arith.addi %mul3A_0, %arg0 : i32
    %mul3A_1 = arith.constant 1000 : i32
    %mul3A_2 = arith.muli %add3A, %mul3A_1 : i32
    "tpu.region"() ({
      %run_scoped3A = tpu.sem_alloc : memref<!tpu.dma_semaphore, #tpu.memory_space<semaphore_mem>>
      %dma_start3A = tpu.memref_slice %arg3[%mul3A_2] : memref<32000xi32, #tpu.memory_space<hbm>> -> memref<1000xi32, #tpu.memory_space<hbm>>
      %dma_start3A_8 = tpu.memref_slice %arg3[%mul3A_2] : memref<32000xi32, #tpu.memory_space<hbm>> -> memref<1000xi32, #tpu.memory_space<hbm>>
      tpu.enqueue_dma source(%dma_start3A_8 : memref<1000xi32, #tpu.memory_space<hbm>>) target(%arg7 : memref<1000xi32, #tpu.memory_space<vmem>>) target_semaphore(%run_scoped3A : memref<!tpu.dma_semaphore, #tpu.memory_space<semaphore_mem>>)
      %dma_wait3A = tpu.memref_slice %arg3[%mul3A_2] : memref<32000xi32, #tpu.memory_space<hbm>> -> memref<1000xi32, #tpu.memory_space<hbm>>
      %dma_wait3A_9 = tpu.memref_slice %arg3[%mul3A_2] : memref<32000xi32, #tpu.memory_space<hbm>> -> memref<1000xi32, #tpu.memory_space<hbm>>
      tpu.wait_dma2 semaphore(%run_scoped3A : memref<!tpu.dma_semaphore, #tpu.memory_space<semaphore_mem>>) src(%dma_wait3A_9 : memref<1000xi32, #tpu.memory_space<hbm>>) dst(%arg7 : memref<1000xi32, #tpu.memory_space<vmem>>)
      tpu.yield
    }) : () -> ()
    "tpu.region"() ({
      %run_scoped3A = tpu.sem_alloc : memref<!tpu.dma_semaphore, #tpu.memory_space<semaphore_mem>>
      %dma_start3A = tpu.memref_slice %arg4[%mul3A_2] : memref<32000xi32, #tpu.memory_space<hbm>> -> memref<1000xi32, #tpu.memory_space<hbm>>
      %dma_start3A_8 = tpu.memref_slice %arg4[%mul3A_2] : memref<32000xi32, #tpu.memory_space<hbm>> -> memref<1000xi32, #tpu.memory_space<hbm>>
      tpu.enqueue_dma source(%dma_start3A_8 : memref<1000xi32, #tpu.memory_space<hbm>>) target(%arg8 : memref<1000xi32, #tpu.memory_space<vmem>>) target_semaphore(%run_scoped3A : memref<!tpu.dma_semaphore, #tpu.memory_space<semaphore_mem>>)
      %dma_wait3A = tpu.memref_slice %arg4[%mul3A_2] : memref<32000xi32, #tpu.memory_space<hbm>> -> memref<1000xi32, #tpu.memory_space<hbm>>
      %dma_wait3A_9 = tpu.memref_slice %arg4[%mul3A_2] : memref<32000xi32, #tpu.memory_space<hbm>> -> memref<1000xi32, #tpu.memory_space<hbm>>
      tpu.wait_dma2 semaphore(%run_scoped3A : memref<!tpu.dma_semaphore, #tpu.memory_space<semaphore_mem>>) src(%dma_wait3A_9 : memref<1000xi32, #tpu.memory_space<hbm>>) dst(%arg8 : memref<1000xi32, #tpu.memory_space<vmem>>)
      tpu.yield
    }) : () -> ()
    %scan3A = arith.constant 0 : i32
    %scan3A_3 = arith.constant 0 : i32
    %scan3A_4 = arith.constant 25 : i32
    %scan3A_5 = arith.addi %scan3A_3, %scan3A_4 : i32
    %scan3A_6 = arith.constant 1 : i32
    scf.for %scan3A_8 = %scan3A_3 to %scan3A_5 step %scan3A_6  : i32 {
      %mul3A_9 = arith.constant 40 : i32
      %mul3A_10 = arith.muli %scan3A_8, %mul3A_9 : i32
      %dma_start3A = tpu.memref_slice %arg7[%mul3A_10] : memref<1000xi32, #tpu.memory_space<vmem>> -> memref<40xi32, #tpu.memory_space<vmem>>
      %dma_start3A_11 = arith.constant 0 : i32
      %dma_start3A_12 = arith.constant 0 : i32
      %dma_start3A_13 = tpu.memref_slice %arg2[%dma_start3A_11, %dma_start3A_12] : memref<10000x128xi32, #tpu.memory_space<hbm>> -> memref<10000x128xi32, #tpu.memory_space<hbm>>
      tpu.enqueue_indirect_dma source(%dma_start3A_13 : memref<10000x128xi32, #tpu.memory_space<hbm>>) target(%arg9 : memref<40x128xi32, #tpu.memory_space<vmem>>) offsets(%dma_start3A : memref<40xi32, #tpu.memory_space<vmem>>) semaphore(%arg11 : memref<!tpu.dma_semaphore, #tpu.memory_space<semaphore_mem>>)
      %dma_start3A_14 = tpu.memref_slice %arg8[%mul3A_10] : memref<1000xi32, #tpu.memory_space<vmem>> -> memref<40xi32, #tpu.memory_space<vmem>>
      %dma_start3A_15 = arith.constant 0 : i32
      %dma_start3A_16 = arith.constant 0 : i32
      %dma_start3A_17 = tpu.memref_slice %arg2[%dma_start3A_15, %dma_start3A_16] : memref<10000x128xi32, #tpu.memory_space<hbm>> -> memref<10000x128xi32, #tpu.memory_space<hbm>>
      tpu.enqueue_indirect_dma source(%dma_start3A_17 : memref<10000x128xi32, #tpu.memory_space<hbm>>) target(%arg10 : memref<40x128xi32, #tpu.memory_space<vmem>>) offsets(%dma_start3A_14 : memref<40xi32, #tpu.memory_space<vmem>>) semaphore(%arg12 : memref<!tpu.dma_semaphore, #tpu.memory_space<semaphore_mem>>)
      %dma_wait3A = tpu.memref_slice %arg7[%mul3A_10] : memref<1000xi32, #tpu.memory_space<vmem>> -> memref<40xi32, #tpu.memory_space<vmem>>
      %dma_wait3A_18 = arith.constant 0 : i32
      %dma_wait3A_19 = arith.constant 0 : i32
      %dma_wait3A_20 = tpu.memref_slice %arg2[%dma_wait3A_18, %dma_wait3A_19] : memref<10000x128xi32, #tpu.memory_space<hbm>> -> memref<10000x128xi32, #tpu.memory_space<hbm>>
      tpu.wait_indirect_dma semaphore(%arg11 : memref<!tpu.dma_semaphore, #tpu.memory_space<semaphore_mem>>) src(%dma_wait3A_20 : memref<10000x128xi32, #tpu.memory_space<hbm>>) dst(%arg9 : memref<40x128xi32, #tpu.memory_space<vmem>>)
      %dma_wait3A_21 = tpu.memref_slice %arg8[%mul3A_10] : memref<1000xi32, #tpu.memory_space<vmem>> -> memref<40xi32, #tpu.memory_space<vmem>>
      %dma_wait3A_22 = arith.constant 0 : i32
      %dma_wait3A_23 = arith.constant 0 : i32
      %dma_wait3A_24 = tpu.memref_slice %arg2[%dma_wait3A_22, %dma_wait3A_23] : memref<10000x128xi32, #tpu.memory_space<hbm>> -> memref<10000x128xi32, #tpu.memory_space<hbm>>
      tpu.wait_indirect_dma semaphore(%arg12 : memref<!tpu.dma_semaphore, #tpu.memory_space<semaphore_mem>>) src(%dma_wait3A_24 : memref<10000x128xi32, #tpu.memory_space<hbm>>) dst(%arg10 : memref<40x128xi32, #tpu.memory_space<vmem>>)
      %add3A_25 = arith.addi %mul3A_2, %mul3A_10 : i32
      "tpu.region"() ({
        %run_scoped3A = tpu.sem_alloc : memref<!tpu.dma_semaphore, #tpu.memory_space<semaphore_mem>>
        %dma_start3A_27 = arith.constant 0 : i32
        %dma_start3A_28 = tpu.memref_slice %arg5[%add3A_25, %dma_start3A_27] : memref<32000x128xi32, #tpu.memory_space<hbm>> -> memref<40x128xi32, #tpu.memory_space<hbm>>
        %dma_start3A_29 = arith.constant 0 : i32
        %dma_start3A_30 = tpu.memref_slice %arg5[%add3A_25, %dma_start3A_29] : memref<32000x128xi32, #tpu.memory_space<hbm>> -> memref<40x128xi32, #tpu.memory_space<hbm>>
        tpu.enqueue_dma source(%arg9 : memref<40x128xi32, #tpu.memory_space<vmem>>) target(%dma_start3A_30 : memref<40x128xi32, #tpu.memory_space<hbm>>) target_semaphore(%run_scoped3A : memref<!tpu.dma_semaphore, #tpu.memory_space<semaphore_mem>>)
        %dma_wait3A_31 = arith.constant 0 : i32
        %dma_wait3A_32 = tpu.memref_slice %arg5[%add3A_25, %dma_wait3A_31] : memref<32000x128xi32, #tpu.memory_space<hbm>> -> memref<40x128xi32, #tpu.memory_space<hbm>>
        %dma_wait3A_33 = arith.constant 0 : i32
        %dma_wait3A_34 = tpu.memref_slice %arg5[%add3A_25, %dma_wait3A_33] : memref<32000x128xi32, #tpu.memory_space<hbm>> -> memref<40x128xi32, #tpu.memory_space<hbm>>
        tpu.wait_dma2 semaphore(%run_scoped3A : memref<!tpu.dma_semaphore, #tpu.memory_space<semaphore_mem>>) src(%arg9 : memref<40x128xi32, #tpu.memory_space<vmem>>) dst(%dma_wait3A_34 : memref<40x128xi32, #tpu.memory_space<hbm>>)
        tpu.yield
      }) : () -> ()
      %add3A_26 = arith.addi %mul3A_2, %mul3A_10 : i32
      "tpu.region"() ({
        %run_scoped3A = tpu.sem_alloc : memref<!tpu.dma_semaphore, #tpu.memory_space<semaphore_mem>>
        %dma_start3A_27 = arith.constant 0 : i32
        %dma_start3A_28 = tpu.memref_slice %arg6[%add3A_26, %dma_start3A_27] : memref<32000x128xi32, #tpu.memory_space<hbm>> -> memref<40x128xi32, #tpu.memory_space<hbm>>
        %dma_start3A_29 = arith.constant 0 : i32
        %dma_start3A_30 = tpu.memref_slice %arg6[%add3A_26, %dma_start3A_29] : memref<32000x128xi32, #tpu.memory_space<hbm>> -> memref<40x128xi32, #tpu.memory_space<hbm>>
        tpu.enqueue_dma source(%arg10 : memref<40x128xi32, #tpu.memory_space<vmem>>) target(%dma_start3A_30 : memref<40x128xi32, #tpu.memory_space<hbm>>) target_semaphore(%run_scoped3A : memref<!tpu.dma_semaphore, #tpu.memory_space<semaphore_mem>>)
        %dma_wait3A_31 = arith.constant 0 : i32
        %dma_wait3A_32 = tpu.memref_slice %arg6[%add3A_26, %dma_wait3A_31] : memref<32000x128xi32, #tpu.memory_space<hbm>> -> memref<40x128xi32, #tpu.memory_space<hbm>>
        %dma_wait3A_33 = arith.constant 0 : i32
        %dma_wait3A_34 = tpu.memref_slice %arg6[%add3A_26, %dma_wait3A_33] : memref<32000x128xi32, #tpu.memory_space<hbm>> -> memref<40x128xi32, #tpu.memory_space<hbm>>
        tpu.wait_dma2 semaphore(%run_scoped3A : memref<!tpu.dma_semaphore, #tpu.memory_space<semaphore_mem>>) src(%arg10 : memref<40x128xi32, #tpu.memory_space<vmem>>) dst(%dma_wait3A_34 : memref<40x128xi32, #tpu.memory_space<hbm>>)
        tpu.yield
      }) : () -> ()
    }
    %scan3A_7 = arith.constant 25 : i32
    return
  }
}

#map = affine_map<(d0, d1) -> (0, 0)>
#map1 = affine_map<(d0, d1) -> (0)>
module attributes {stable_mosaic.version = 14 : i64} {
  func.func @gather_kernel(%arg0: i32, %arg1: i32, %arg2: memref<10000x128xi32, #tpu.memory_space<hbm>>, %arg3: memref<32000xi32, #tpu.memory_space<hbm>>, %arg4: memref<32000xi32, #tpu.memory_space<hbm>>, %arg5: memref<32000x128xi32, #tpu.memory_space<hbm>>, %arg6: memref<32000x128xi32, #tpu.memory_space<hbm>>, %arg7: memref<1000xi32, #tpu.memory_space<vmem>>, %arg8: memref<1000xi32, #tpu.memory_space<vmem>>, %arg9: memref<40x128xi32, #tpu.memory_space<vmem>>, %arg10: memref<40x128xi32, #tpu.memory_space<vmem>>, %arg11: memref<!tpu.dma_semaphore, #tpu.memory_space<semaphore_mem>>, %arg12: memref<!tpu.dma_semaphore, #tpu.memory_space<semaphore_mem>>) attributes {dimension_semantics = [#tpu.dimension_semantics<core_parallel>, #tpu.dimension_semantics<subcore_parallel>], iteration_bounds = array<i64: 2, 16>, scalar_prefetch = 0 : i64, scratch_operands = 6 : i64, tpu.core_type = #tpu.core_type<sc_vector_subcore>, window_params = [{transform_indices = #map}, {transform_indices = #map1}, {transform_indices = #map1}, {transform_indices = #map}, {transform_indices = #map}]} {
    %mul3A = arith.constant 2 : i32
    %mul3A_0 = arith.muli %arg1, %mul3A : i32
    %add3A = arith.addi %mul3A_0, %arg0 : i32
    %mul3A_1 = arith.constant 1000 : i32
    %mul3A_2 = arith.muli %add3A, %mul3A_1 : i32
    "tpu.region"() ({
      %run_scoped3A = tpu.sem_alloc : memref<!tpu.dma_semaphore, #tpu.memory_space<semaphore_mem>>
      %dma_start3A = tpu.memref_slice %arg3[%mul3A_2] : memref<32000xi32, #tpu.memory_space<hbm>> -> memref<1000xi32, #tpu.memory_space<hbm>>
      %dma_start3A_8 = tpu.memref_slice %arg3[%mul3A_2] : memref<32000xi32, #tpu.memory_space<hbm>> -> memref<1000xi32, #tpu.memory_space<hbm>>
      tpu.enqueue_dma source(%dma_start3A_8 : memref<1000xi32, #tpu.memory_space<hbm>>) target(%arg7 : memref<1000xi32, #tpu.memory_space<vmem>>) target_semaphore(%run_scoped3A : memref<!tpu.dma_semaphore, #tpu.memory_space<semaphore_mem>>)
      %dma_wait3A = tpu.memref_slice %arg3[%mul3A_2] : memref<32000xi32, #tpu.memory_space<hbm>> -> memref<1000xi32, #tpu.memory_space<hbm>>
      %dma_wait3A_9 = tpu.memref_slice %arg3[%mul3A_2] : memref<32000xi32, #tpu.memory_space<hbm>> -> memref<1000xi32, #tpu.memory_space<hbm>>
      tpu.wait_dma2 semaphore(%run_scoped3A : memref<!tpu.dma_semaphore, #tpu.memory_space<semaphore_mem>>) src(%dma_wait3A_9 : memref<1000xi32, #tpu.memory_space<hbm>>) dst(%arg7 : memref<1000xi32, #tpu.memory_space<vmem>>)
      tpu.yield
    }) : () -> ()
    "tpu.region"() ({
      %run_scoped3A = tpu.sem_alloc : memref<!tpu.dma_semaphore, #tpu.memory_space<semaphore_mem>>
      %dma_start3A = tpu.memref_slice %arg4[%mul3A_2] : memref<32000xi32, #tpu.memory_space<hbm>> -> memref<1000xi32, #tpu.memory_space<hbm>>
      %dma_start3A_8 = tpu.memref_slice %arg4[%mul3A_2] : memref<32000xi32, #tpu.memory_space<hbm>> -> memref<1000xi32, #tpu.memory_space<hbm>>
      tpu.enqueue_dma source(%dma_start3A_8 : memref<1000xi32, #tpu.memory_space<hbm>>) target(%arg8 : memref<1000xi32, #tpu.memory_space<vmem>>) target_semaphore(%run_scoped3A : memref<!tpu.dma_semaphore, #tpu.memory_space<semaphore_mem>>)
      %dma_wait3A = tpu.memref_slice %arg4[%mul3A_2] : memref<32000xi32, #tpu.memory_space<hbm>> -> memref<1000xi32, #tpu.memory_space<hbm>>
      %dma_wait3A_9 = tpu.memref_slice %arg4[%mul3A_2] : memref<32000xi32, #tpu.memory_space<hbm>> -> memref<1000xi32, #tpu.memory_space<hbm>>
      tpu.wait_dma2 semaphore(%run_scoped3A : memref<!tpu.dma_semaphore, #tpu.memory_space<semaphore_mem>>) src(%dma_wait3A_9 : memref<1000xi32, #tpu.memory_space<hbm>>) dst(%arg8 : memref<1000xi32, #tpu.memory_space<vmem>>)
      tpu.yield
    }) : () -> ()
    %scan3A = arith.constant 0 : i32
    %scan3A_3 = arith.constant 0 : i32
    %scan3A_4 = arith.constant 25 : i32
    %scan3A_5 = arith.addi %scan3A_3, %scan3A_4 : i32
    %scan3A_6 = arith.constant 1 : i32
    scf.for %scan3A_8 = %scan3A_3 to %scan3A_5 step %scan3A_6  : i32 {
      %mul3A_9 = arith.constant 40 : i32
      %mul3A_10 = arith.muli %scan3A_8, %mul3A_9 : i32
      %dma_start3A = tpu.memref_slice %arg7[%mul3A_10] : memref<1000xi32, #tpu.memory_space<vmem>> -> memref<40xi32, #tpu.memory_space<vmem>>
      %dma_start3A_11 = arith.constant 0 : i32
      %dma_start3A_12 = arith.constant 0 : i32
      %dma_start3A_13 = tpu.memref_slice %arg2[%dma_start3A_11, %dma_start3A_12] : memref<10000x128xi32, #tpu.memory_space<hbm>> -> memref<10000x128xi32, #tpu.memory_space<hbm>>
      tpu.enqueue_indirect_dma source(%dma_start3A_13 : memref<10000x128xi32, #tpu.memory_space<hbm>>) target(%arg9 : memref<40x128xi32, #tpu.memory_space<vmem>>) offsets(%dma_start3A : memref<40xi32, #tpu.memory_space<vmem>>) semaphore(%arg11 : memref<!tpu.dma_semaphore, #tpu.memory_space<semaphore_mem>>)
      %dma_start3A_14 = tpu.memref_slice %arg8[%mul3A_10] : memref<1000xi32, #tpu.memory_space<vmem>> -> memref<40xi32, #tpu.memory_space<vmem>>
      %dma_start3A_15 = arith.constant 0 : i32
      %dma_start3A_16 = arith.constant 0 : i32
      %dma_start3A_17 = tpu.memref_slice %arg2[%dma_start3A_15, %dma_start3A_16] : memref<10000x128xi32, #tpu.memory_space<hbm>> -> memref<10000x128xi32, #tpu.memory_space<hbm>>
      tpu.enqueue_indirect_dma source(%dma_start3A_17 : memref<10000x128xi32, #tpu.memory_space<hbm>>) target(%arg10 : memref<40x128xi32, #tpu.memory_space<vmem>>) offsets(%dma_start3A_14 : memref<40xi32, #tpu.memory_space<vmem>>) semaphore(%arg12 : memref<!tpu.dma_semaphore, #tpu.memory_space<semaphore_mem>>)
      %dma_wait3A = tpu.memref_slice %arg7[%mul3A_10] : memref<1000xi32, #tpu.memory_space<vmem>> -> memref<40xi32, #tpu.memory_space<vmem>>
      %dma_wait3A_18 = arith.constant 0 : i32
      %dma_wait3A_19 = arith.constant 0 : i32
      %dma_wait3A_20 = tpu.memref_slice %arg2[%dma_wait3A_18, %dma_wait3A_19] : memref<10000x128xi32, #tpu.memory_space<hbm>> -> memref<10000x128xi32, #tpu.memory_space<hbm>>
      tpu.wait_indirect_dma semaphore(%arg11 : memref<!tpu.dma_semaphore, #tpu.memory_space<semaphore_mem>>) src(%dma_wait3A_20 : memref<10000x128xi32, #tpu.memory_space<hbm>>) dst(%arg9 : memref<40x128xi32, #tpu.memory_space<vmem>>)
      %dma_wait3A_21 = tpu.memref_slice %arg8[%mul3A_10] : memref<1000xi32, #tpu.memory_space<vmem>> -> memref<40xi32, #tpu.memory_space<vmem>>
      %dma_wait3A_22 = arith.constant 0 : i32
      %dma_wait3A_23 = arith.constant 0 : i32
      %dma_wait3A_24 = tpu.memref_slice %arg2[%dma_wait3A_22, %dma_wait3A_23] : memref<10000x128xi32, #tpu.memory_space<hbm>> -> memref<10000x128xi32, #tpu.memory_space<hbm>>
      tpu.wait_indirect_dma semaphore(%arg12 : memref<!tpu.dma_semaphore, #tpu.memory_space<semaphore_mem>>) src(%dma_wait3A_24 : memref<10000x128xi32, #tpu.memory_space<hbm>>) dst(%arg10 : memref<40x128xi32, #tpu.memory_space<vmem>>)
      %add3A_25 = arith.addi %mul3A_2, %mul3A_10 : i32
      "tpu.region"() ({
        %run_scoped3A = tpu.sem_alloc : memref<!tpu.dma_semaphore, #tpu.memory_space<semaphore_mem>>
        %dma_start3A_27 = arith.constant 0 : i32
        %dma_start3A_28 = tpu.memref_slice %arg5[%add3A_25, %dma_start3A_27] : memref<32000x128xi32, #tpu.memory_space<hbm>> -> memref<40x128xi32, #tpu.memory_space<hbm>>
        %dma_start3A_29 = arith.constant 0 : i32
        %dma_start3A_30 = tpu.memref_slice %arg5[%add3A_25, %dma_start3A_29] : memref<32000x128xi32, #tpu.memory_space<hbm>> -> memref<40x128xi32, #tpu.memory_space<hbm>>
        tpu.enqueue_dma source(%arg9 : memref<40x128xi32, #tpu.memory_space<vmem>>) target(%dma_start3A_30 : memref<40x128xi32, #tpu.memory_space<hbm>>) target_semaphore(%run_scoped3A : memref<!tpu.dma_semaphore, #tpu.memory_space<semaphore_mem>>)
        %dma_wait3A_31 = arith.constant 0 : i32
        %dma_wait3A_32 = tpu.memref_slice %arg5[%add3A_25, %dma_wait3A_31] : memref<32000x128xi32, #tpu.memory_space<hbm>> -> memref<40x128xi32, #tpu.memory_space<hbm>>
        %dma_wait3A_33 = arith.constant 0 : i32
        %dma_wait3A_34 = tpu.memref_slice %arg5[%add3A_25, %dma_wait3A_33] : memref<32000x128xi32, #tpu.memory_space<hbm>> -> memref<40x128xi32, #tpu.memory_space<hbm>>
        tpu.wait_dma2 semaphore(%run_scoped3A : memref<!tpu.dma_semaphore, #tpu.memory_space<semaphore_mem>>) src(%arg9 : memref<40x128xi32, #tpu.memory_space<vmem>>) dst(%dma_wait3A_34 : memref<40x128xi32, #tpu.memory_space<hbm>>)
        tpu.yield
      }) : () -> ()
      %add3A_26 = arith.addi %mul3A_2, %mul3A_10 : i32
      "tpu.region"() ({
        %run_scoped3A = tpu.sem_alloc : memref<!tpu.dma_semaphore, #tpu.memory_space<semaphore_mem>>
        %dma_start3A_27 = arith.constant 0 : i32
        %dma_start3A_28 = tpu.memref_slice %arg6[%add3A_26, %dma_start3A_27] : memref<32000x128xi32, #tpu.memory_space<hbm>> -> memref<40x128xi32, #tpu.memory_space<hbm>>
        %dma_start3A_29 = arith.constant 0 : i32
        %dma_start3A_30 = tpu.memref_slice %arg6[%add3A_26, %dma_start3A_29] : memref<32000x128xi32, #tpu.memory_space<hbm>> -> memref<40x128xi32, #tpu.memory_space<hbm>>
        tpu.enqueue_dma source(%arg10 : memref<40x128xi32, #tpu.memory_space<vmem>>) target(%dma_start3A_30 : memref<40x128xi32, #tpu.memory_space<hbm>>) target_semaphore(%run_scoped3A : memref<!tpu.dma_semaphore, #tpu.memory_space<semaphore_mem>>)
        %dma_wait3A_31 = arith.constant 0 : i32
        %dma_wait3A_32 = tpu.memref_slice %arg6[%add3A_26, %dma_wait3A_31] : memref<32000x128xi32, #tpu.memory_space<hbm>> -> memref<40x128xi32, #tpu.memory_space<hbm>>
        %dma_wait3A_33 = arith.constant 0 : i32
        %dma_wait3A_34 = tpu.memref_slice %arg6[%add3A_26, %dma_wait3A_33] : memref<32000x128xi32, #tpu.memory_space<hbm>> -> memref<40x128xi32, #tpu.memory_space<hbm>>
        tpu.wait_dma2 semaphore(%run_scoped3A : memref<!tpu.dma_semaphore, #tpu.memory_space<semaphore_mem>>) src(%arg10 : memref<40x128xi32, #tpu.memory_space<vmem>>) dst(%dma_wait3A_34 : memref<40x128xi32, #tpu.memory_space<hbm>>)
        tpu.yield
      }) : () -> ()
    }
    %scan3A_7 = arith.constant 25 : i32
    return
  }
}

#map = affine_map<(d0, d1) -> (0, 0)>
#map1 = affine_map<(d0, d1) -> (0)>
module attributes {stable_mosaic.version = 14 : i64} {
  func.func @gather_kernel(%arg0: i32, %arg1: i32, %arg2: memref<10000x128xi32, #tpu.memory_space<hbm>>, %arg3: memref<32000xi32, #tpu.memory_space<hbm>>, %arg4: memref<32000xi32, #tpu.memory_space<hbm>>, %arg5: memref<32000x128xi32, #tpu.memory_space<hbm>>, %arg6: memref<32000x128xi32, #tpu.memory_space<hbm>>, %arg7: memref<1000xi32, #tpu.memory_space<vmem>>, %arg8: memref<1000xi32, #tpu.memory_space<vmem>>, %arg9: memref<40x128xi32, #tpu.memory_space<vmem>>, %arg10: memref<40x128xi32, #tpu.memory_space<vmem>>, %arg11: memref<!tpu.dma_semaphore, #tpu.memory_space<semaphore_mem>>, %arg12: memref<!tpu.dma_semaphore, #tpu.memory_space<semaphore_mem>>) attributes {dimension_semantics = [#tpu.dimension_semantics<core_parallel>, #tpu.dimension_semantics<subcore_parallel>], iteration_bounds = array<i64: 2, 16>, scalar_prefetch = 0 : i64, scratch_operands = 6 : i64, tpu.core_type = #tpu.core_type<sc_vector_subcore>, window_params = [{transform_indices = #map}, {transform_indices = #map1}, {transform_indices = #map1}, {transform_indices = #map}, {transform_indices = #map}]} {
    %mul3A = arith.constant 2 : i32
    %mul3A_0 = arith.muli %arg1, %mul3A : i32
    %add3A = arith.addi %mul3A_0, %arg0 : i32
    %mul3A_1 = arith.constant 1000 : i32
    %mul3A_2 = arith.muli %add3A, %mul3A_1 : i32
    "tpu.region"() ({
      %run_scoped3A = tpu.sem_alloc : memref<!tpu.dma_semaphore, #tpu.memory_space<semaphore_mem>>
      %dma_start3A = tpu.memref_slice %arg3[%mul3A_2] : memref<32000xi32, #tpu.memory_space<hbm>> -> memref<1000xi32, #tpu.memory_space<hbm>>
      %dma_start3A_8 = tpu.memref_slice %arg3[%mul3A_2] : memref<32000xi32, #tpu.memory_space<hbm>> -> memref<1000xi32, #tpu.memory_space<hbm>>
      tpu.enqueue_dma source(%dma_start3A_8 : memref<1000xi32, #tpu.memory_space<hbm>>) target(%arg7 : memref<1000xi32, #tpu.memory_space<vmem>>) target_semaphore(%run_scoped3A : memref<!tpu.dma_semaphore, #tpu.memory_space<semaphore_mem>>)
      %dma_wait3A = tpu.memref_slice %arg3[%mul3A_2] : memref<32000xi32, #tpu.memory_space<hbm>> -> memref<1000xi32, #tpu.memory_space<hbm>>
      %dma_wait3A_9 = tpu.memref_slice %arg3[%mul3A_2] : memref<32000xi32, #tpu.memory_space<hbm>> -> memref<1000xi32, #tpu.memory_space<hbm>>
      tpu.wait_dma2 semaphore(%run_scoped3A : memref<!tpu.dma_semaphore, #tpu.memory_space<semaphore_mem>>) src(%dma_wait3A_9 : memref<1000xi32, #tpu.memory_space<hbm>>) dst(%arg7 : memref<1000xi32, #tpu.memory_space<vmem>>)
      tpu.yield
    }) : () -> ()
    "tpu.region"() ({
      %run_scoped3A = tpu.sem_alloc : memref<!tpu.dma_semaphore, #tpu.memory_space<semaphore_mem>>
      %dma_start3A = tpu.memref_slice %arg4[%mul3A_2] : memref<32000xi32, #tpu.memory_space<hbm>> -> memref<1000xi32, #tpu.memory_space<hbm>>
      %dma_start3A_8 = tpu.memref_slice %arg4[%mul3A_2] : memref<32000xi32, #tpu.memory_space<hbm>> -> memref<1000xi32, #tpu.memory_space<hbm>>
      tpu.enqueue_dma source(%dma_start3A_8 : memref<1000xi32, #tpu.memory_space<hbm>>) target(%arg8 : memref<1000xi32, #tpu.memory_space<vmem>>) target_semaphore(%run_scoped3A : memref<!tpu.dma_semaphore, #tpu.memory_space<semaphore_mem>>)
      %dma_wait3A = tpu.memref_slice %arg4[%mul3A_2] : memref<32000xi32, #tpu.memory_space<hbm>> -> memref<1000xi32, #tpu.memory_space<hbm>>
      %dma_wait3A_9 = tpu.memref_slice %arg4[%mul3A_2] : memref<32000xi32, #tpu.memory_space<hbm>> -> memref<1000xi32, #tpu.memory_space<hbm>>
      tpu.wait_dma2 semaphore(%run_scoped3A : memref<!tpu.dma_semaphore, #tpu.memory_space<semaphore_mem>>) src(%dma_wait3A_9 : memref<1000xi32, #tpu.memory_space<hbm>>) dst(%arg8 : memref<1000xi32, #tpu.memory_space<vmem>>)
      tpu.yield
    }) : () -> ()
    %scan3A = arith.constant 0 : i32
    %scan3A_3 = arith.constant 0 : i32
    %scan3A_4 = arith.constant 25 : i32
    %scan3A_5 = arith.addi %scan3A_3, %scan3A_4 : i32
    %scan3A_6 = arith.constant 1 : i32
    scf.for %scan3A_8 = %scan3A_3 to %scan3A_5 step %scan3A_6  : i32 {
      %mul3A_9 = arith.constant 40 : i32
      %mul3A_10 = arith.muli %scan3A_8, %mul3A_9 : i32
      %dma_start3A = tpu.memref_slice %arg7[%mul3A_10] : memref<1000xi32, #tpu.memory_space<vmem>> -> memref<40xi32, #tpu.memory_space<vmem>>
      %dma_start3A_11 = arith.constant 0 : i32
      %dma_start3A_12 = arith.constant 0 : i32
      %dma_start3A_13 = tpu.memref_slice %arg2[%dma_start3A_11, %dma_start3A_12] : memref<10000x128xi32, #tpu.memory_space<hbm>> -> memref<10000x128xi32, #tpu.memory_space<hbm>>
      tpu.enqueue_indirect_dma source(%dma_start3A_13 : memref<10000x128xi32, #tpu.memory_space<hbm>>) target(%arg9 : memref<40x128xi32, #tpu.memory_space<vmem>>) offsets(%dma_start3A : memref<40xi32, #tpu.memory_space<vmem>>) semaphore(%arg11 : memref<!tpu.dma_semaphore, #tpu.memory_space<semaphore_mem>>)
      %dma_start3A_14 = tpu.memref_slice %arg8[%mul3A_10] : memref<1000xi32, #tpu.memory_space<vmem>> -> memref<40xi32, #tpu.memory_space<vmem>>
      %dma_start3A_15 = arith.constant 0 : i32
      %dma_start3A_16 = arith.constant 0 : i32
      %dma_start3A_17 = tpu.memref_slice %arg2[%dma_start3A_15, %dma_start3A_16] : memref<10000x128xi32, #tpu.memory_space<hbm>> -> memref<10000x128xi32, #tpu.memory_space<hbm>>
      tpu.enqueue_indirect_dma source(%dma_start3A_17 : memref<10000x128xi32, #tpu.memory_space<hbm>>) target(%arg10 : memref<40x128xi32, #tpu.memory_space<vmem>>) offsets(%dma_start3A_14 : memref<40xi32, #tpu.memory_space<vmem>>) semaphore(%arg12 : memref<!tpu.dma_semaphore, #tpu.memory_space<semaphore_mem>>)
      %dma_wait3A = tpu.memref_slice %arg7[%mul3A_10] : memref<1000xi32, #tpu.memory_space<vmem>> -> memref<40xi32, #tpu.memory_space<vmem>>
      %dma_wait3A_18 = arith.constant 0 : i32
      %dma_wait3A_19 = arith.constant 0 : i32
      %dma_wait3A_20 = tpu.memref_slice %arg2[%dma_wait3A_18, %dma_wait3A_19] : memref<10000x128xi32, #tpu.memory_space<hbm>> -> memref<10000x128xi32, #tpu.memory_space<hbm>>
      tpu.wait_indirect_dma semaphore(%arg11 : memref<!tpu.dma_semaphore, #tpu.memory_space<semaphore_mem>>) src(%dma_wait3A_20 : memref<10000x128xi32, #tpu.memory_space<hbm>>) dst(%arg9 : memref<40x128xi32, #tpu.memory_space<vmem>>)
      %dma_wait3A_21 = tpu.memref_slice %arg8[%mul3A_10] : memref<1000xi32, #tpu.memory_space<vmem>> -> memref<40xi32, #tpu.memory_space<vmem>>
      %dma_wait3A_22 = arith.constant 0 : i32
      %dma_wait3A_23 = arith.constant 0 : i32
      %dma_wait3A_24 = tpu.memref_slice %arg2[%dma_wait3A_22, %dma_wait3A_23] : memref<10000x128xi32, #tpu.memory_space<hbm>> -> memref<10000x128xi32, #tpu.memory_space<hbm>>
      tpu.wait_indirect_dma semaphore(%arg12 : memref<!tpu.dma_semaphore, #tpu.memory_space<semaphore_mem>>) src(%dma_wait3A_24 : memref<10000x128xi32, #tpu.memory_space<hbm>>) dst(%arg10 : memref<40x128xi32, #tpu.memory_space<vmem>>)
      %add3A_25 = arith.addi %mul3A_2, %mul3A_10 : i32
      "tpu.region"() ({
        %run_scoped3A = tpu.sem_alloc : memref<!tpu.dma_semaphore, #tpu.memory_space<semaphore_mem>>
        %dma_start3A_27 = arith.constant 0 : i32
        %dma_start3A_28 = tpu.memref_slice %arg5[%add3A_25, %dma_start3A_27] : memref<32000x128xi32, #tpu.memory_space<hbm>> -> memref<40x128xi32, #tpu.memory_space<hbm>>
        %dma_start3A_29 = arith.constant 0 : i32
        %dma_start3A_30 = tpu.memref_slice %arg5[%add3A_25, %dma_start3A_29] : memref<32000x128xi32, #tpu.memory_space<hbm>> -> memref<40x128xi32, #tpu.memory_space<hbm>>
        tpu.enqueue_dma source(%arg9 : memref<40x128xi32, #tpu.memory_space<vmem>>) target(%dma_start3A_30 : memref<40x128xi32, #tpu.memory_space<hbm>>) target_semaphore(%run_scoped3A : memref<!tpu.dma_semaphore, #tpu.memory_space<semaphore_mem>>)
        %dma_wait3A_31 = arith.constant 0 : i32
        %dma_wait3A_32 = tpu.memref_slice %arg5[%add3A_25, %dma_wait3A_31] : memref<32000x128xi32, #tpu.memory_space<hbm>> -> memref<40x128xi32, #tpu.memory_space<hbm>>
        %dma_wait3A_33 = arith.constant 0 : i32
        %dma_wait3A_34 = tpu.memref_slice %arg5[%add3A_25, %dma_wait3A_33] : memref<32000x128xi32, #tpu.memory_space<hbm>> -> memref<40x128xi32, #tpu.memory_space<hbm>>
        tpu.wait_dma2 semaphore(%run_scoped3A : memref<!tpu.dma_semaphore, #tpu.memory_space<semaphore_mem>>) src(%arg9 : memref<40x128xi32, #tpu.memory_space<vmem>>) dst(%dma_wait3A_34 : memref<40x128xi32, #tpu.memory_space<hbm>>)
        tpu.yield
      }) : () -> ()
      %add3A_26 = arith.addi %mul3A_2, %mul3A_10 : i32
      "tpu.region"() ({
        %run_scoped3A = tpu.sem_alloc : memref<!tpu.dma_semaphore, #tpu.memory_space<semaphore_mem>>
        %dma_start3A_27 = arith.constant 0 : i32
        %dma_start3A_28 = tpu.memref_slice %arg6[%add3A_26, %dma_start3A_27] : memref<32000x128xi32, #tpu.memory_space<hbm>> -> memref<40x128xi32, #tpu.memory_space<hbm>>
        %dma_start3A_29 = arith.constant 0 : i32
        %dma_start3A_30 = tpu.memref_slice %arg6[%add3A_26, %dma_start3A_29] : memref<32000x128xi32, #tpu.memory_space<hbm>> -> memref<40x128xi32, #tpu.memory_space<hbm>>
        tpu.enqueue_dma source(%arg10 : memref<40x128xi32, #tpu.memory_space<vmem>>) target(%dma_start3A_30 : memref<40x128xi32, #tpu.memory_space<hbm>>) target_semaphore(%run_scoped3A : memref<!tpu.dma_semaphore, #tpu.memory_space<semaphore_mem>>)
        %dma_wait3A_31 = arith.constant 0 : i32
        %dma_wait3A_32 = tpu.memref_slice %arg6[%add3A_26, %dma_wait3A_31] : memref<32000x128xi32, #tpu.memory_space<hbm>> -> memref<40x128xi32, #tpu.memory_space<hbm>>
        %dma_wait3A_33 = arith.constant 0 : i32
        %dma_wait3A_34 = tpu.memref_slice %arg6[%add3A_26, %dma_wait3A_33] : memref<32000x128xi32, #tpu.memory_space<hbm>> -> memref<40x128xi32, #tpu.memory_space<hbm>>
        tpu.wait_dma2 semaphore(%run_scoped3A : memref<!tpu.dma_semaphore, #tpu.memory_space<semaphore_mem>>) src(%arg10 : memref<40x128xi32, #tpu.memory_space<vmem>>) dst(%dma_wait3A_34 : memref<40x128xi32, #tpu.memory_space<hbm>>)
        tpu.yield
      }) : () -> ()
    }
    %scan3A_7 = arith.constant 25 : i32
    return
  }
}

#map = affine_map<(d0, d1) -> (0, 0)>
#map1 = affine_map<(d0, d1) -> (0)>
module attributes {stable_mosaic.version = 14 : i64} {
  func.func @gather_kernel(%arg0: i32, %arg1: i32, %arg2: memref<10000x128xi32, #tpu.memory_space<hbm>>, %arg3: memref<32000xi32, #tpu.memory_space<hbm>>, %arg4: memref<32000xi32, #tpu.memory_space<hbm>>, %arg5: memref<32000x128xi32, #tpu.memory_space<hbm>>, %arg6: memref<32000x128xi32, #tpu.memory_space<hbm>>, %arg7: memref<1000xi32, #tpu.memory_space<vmem>>, %arg8: memref<1000xi32, #tpu.memory_space<vmem>>, %arg9: memref<40x128xi32, #tpu.memory_space<vmem>>, %arg10: memref<40x128xi32, #tpu.memory_space<vmem>>, %arg11: memref<!tpu.dma_semaphore, #tpu.memory_space<semaphore_mem>>, %arg12: memref<!tpu.dma_semaphore, #tpu.memory_space<semaphore_mem>>) attributes {dimension_semantics = [#tpu.dimension_semantics<core_parallel>, #tpu.dimension_semantics<subcore_parallel>], iteration_bounds = array<i64: 2, 16>, scalar_prefetch = 0 : i64, scratch_operands = 6 : i64, tpu.core_type = #tpu.core_type<sc_vector_subcore>, window_params = [{transform_indices = #map}, {transform_indices = #map1}, {transform_indices = #map1}, {transform_indices = #map}, {transform_indices = #map}]} {
    %mul3A = arith.constant 2 : i32
    %mul3A_0 = arith.muli %arg1, %mul3A : i32
    %add3A = arith.addi %mul3A_0, %arg0 : i32
    %mul3A_1 = arith.constant 1000 : i32
    %mul3A_2 = arith.muli %add3A, %mul3A_1 : i32
    "tpu.region"() ({
      %run_scoped3A = tpu.sem_alloc : memref<!tpu.dma_semaphore, #tpu.memory_space<semaphore_mem>>
      %dma_start3A = tpu.memref_slice %arg3[%mul3A_2] : memref<32000xi32, #tpu.memory_space<hbm>> -> memref<1000xi32, #tpu.memory_space<hbm>>
      %dma_start3A_8 = tpu.memref_slice %arg3[%mul3A_2] : memref<32000xi32, #tpu.memory_space<hbm>> -> memref<1000xi32, #tpu.memory_space<hbm>>
      tpu.enqueue_dma source(%dma_start3A_8 : memref<1000xi32, #tpu.memory_space<hbm>>) target(%arg7 : memref<1000xi32, #tpu.memory_space<vmem>>) target_semaphore(%run_scoped3A : memref<!tpu.dma_semaphore, #tpu.memory_space<semaphore_mem>>)
      %dma_wait3A = tpu.memref_slice %arg3[%mul3A_2] : memref<32000xi32, #tpu.memory_space<hbm>> -> memref<1000xi32, #tpu.memory_space<hbm>>
      %dma_wait3A_9 = tpu.memref_slice %arg3[%mul3A_2] : memref<32000xi32, #tpu.memory_space<hbm>> -> memref<1000xi32, #tpu.memory_space<hbm>>
      tpu.wait_dma2 semaphore(%run_scoped3A : memref<!tpu.dma_semaphore, #tpu.memory_space<semaphore_mem>>) src(%dma_wait3A_9 : memref<1000xi32, #tpu.memory_space<hbm>>) dst(%arg7 : memref<1000xi32, #tpu.memory_space<vmem>>)
      tpu.yield
    }) : () -> ()
    "tpu.region"() ({
      %run_scoped3A = tpu.sem_alloc : memref<!tpu.dma_semaphore, #tpu.memory_space<semaphore_mem>>
      %dma_start3A = tpu.memref_slice %arg4[%mul3A_2] : memref<32000xi32, #tpu.memory_space<hbm>> -> memref<1000xi32, #tpu.memory_space<hbm>>
      %dma_start3A_8 = tpu.memref_slice %arg4[%mul3A_2] : memref<32000xi32, #tpu.memory_space<hbm>> -> memref<1000xi32, #tpu.memory_space<hbm>>
      tpu.enqueue_dma source(%dma_start3A_8 : memref<1000xi32, #tpu.memory_space<hbm>>) target(%arg8 : memref<1000xi32, #tpu.memory_space<vmem>>) target_semaphore(%run_scoped3A : memref<!tpu.dma_semaphore, #tpu.memory_space<semaphore_mem>>)
      %dma_wait3A = tpu.memref_slice %arg4[%mul3A_2] : memref<32000xi32, #tpu.memory_space<hbm>> -> memref<1000xi32, #tpu.memory_space<hbm>>
      %dma_wait3A_9 = tpu.memref_slice %arg4[%mul3A_2] : memref<32000xi32, #tpu.memory_space<hbm>> -> memref<1000xi32, #tpu.memory_space<hbm>>
      tpu.wait_dma2 semaphore(%run_scoped3A : memref<!tpu.dma_semaphore, #tpu.memory_space<semaphore_mem>>) src(%dma_wait3A_9 : memref<1000xi32, #tpu.memory_space<hbm>>) dst(%arg8 : memref<1000xi32, #tpu.memory_space<vmem>>)
      tpu.yield
    }) : () -> ()
    %scan3A = arith.constant 0 : i32
    %scan3A_3 = arith.constant 0 : i32
    %scan3A_4 = arith.constant 25 : i32
    %scan3A_5 = arith.addi %scan3A_3, %scan3A_4 : i32
    %scan3A_6 = arith.constant 1 : i32
    scf.for %scan3A_8 = %scan3A_3 to %scan3A_5 step %scan3A_6  : i32 {
      %mul3A_9 = arith.constant 40 : i32
      %mul3A_10 = arith.muli %scan3A_8, %mul3A_9 : i32
      %dma_start3A = tpu.memref_slice %arg7[%mul3A_10] : memref<1000xi32, #tpu.memory_space<vmem>> -> memref<40xi32, #tpu.memory_space<vmem>>
      %dma_start3A_11 = arith.constant 0 : i32
      %dma_start3A_12 = arith.constant 0 : i32
      %dma_start3A_13 = tpu.memref_slice %arg2[%dma_start3A_11, %dma_start3A_12] : memref<10000x128xi32, #tpu.memory_space<hbm>> -> memref<10000x128xi32, #tpu.memory_space<hbm>>
      tpu.enqueue_indirect_dma source(%dma_start3A_13 : memref<10000x128xi32, #tpu.memory_space<hbm>>) target(%arg9 : memref<40x128xi32, #tpu.memory_space<vmem>>) offsets(%dma_start3A : memref<40xi32, #tpu.memory_space<vmem>>) semaphore(%arg11 : memref<!tpu.dma_semaphore, #tpu.memory_space<semaphore_mem>>)
      %dma_start3A_14 = tpu.memref_slice %arg8[%mul3A_10] : memref<1000xi32, #tpu.memory_space<vmem>> -> memref<40xi32, #tpu.memory_space<vmem>>
      %dma_start3A_15 = arith.constant 0 : i32
      %dma_start3A_16 = arith.constant 0 : i32
      %dma_start3A_17 = tpu.memref_slice %arg2[%dma_start3A_15, %dma_start3A_16] : memref<10000x128xi32, #tpu.memory_space<hbm>> -> memref<10000x128xi32, #tpu.memory_space<hbm>>
      tpu.enqueue_indirect_dma source(%dma_start3A_17 : memref<10000x128xi32, #tpu.memory_space<hbm>>) target(%arg10 : memref<40x128xi32, #tpu.memory_space<vmem>>) offsets(%dma_start3A_14 : memref<40xi32, #tpu.memory_space<vmem>>) semaphore(%arg12 : memref<!tpu.dma_semaphore, #tpu.memory_space<semaphore_mem>>)
      %dma_wait3A = tpu.memref_slice %arg7[%mul3A_10] : memref<1000xi32, #tpu.memory_space<vmem>> -> memref<40xi32, #tpu.memory_space<vmem>>
      %dma_wait3A_18 = arith.constant 0 : i32
      %dma_wait3A_19 = arith.constant 0 : i32
      %dma_wait3A_20 = tpu.memref_slice %arg2[%dma_wait3A_18, %dma_wait3A_19] : memref<10000x128xi32, #tpu.memory_space<hbm>> -> memref<10000x128xi32, #tpu.memory_space<hbm>>
      tpu.wait_indirect_dma semaphore(%arg11 : memref<!tpu.dma_semaphore, #tpu.memory_space<semaphore_mem>>) src(%dma_wait3A_20 : memref<10000x128xi32, #tpu.memory_space<hbm>>) dst(%arg9 : memref<40x128xi32, #tpu.memory_space<vmem>>)
      %dma_wait3A_21 = tpu.memref_slice %arg8[%mul3A_10] : memref<1000xi32, #tpu.memory_space<vmem>> -> memref<40xi32, #tpu.memory_space<vmem>>
      %dma_wait3A_22 = arith.constant 0 : i32
      %dma_wait3A_23 = arith.constant 0 : i32
      %dma_wait3A_24 = tpu.memref_slice %arg2[%dma_wait3A_22, %dma_wait3A_23] : memref<10000x128xi32, #tpu.memory_space<hbm>> -> memref<10000x128xi32, #tpu.memory_space<hbm>>
      tpu.wait_indirect_dma semaphore(%arg12 : memref<!tpu.dma_semaphore, #tpu.memory_space<semaphore_mem>>) src(%dma_wait3A_24 : memref<10000x128xi32, #tpu.memory_space<hbm>>) dst(%arg10 : memref<40x128xi32, #tpu.memory_space<vmem>>)
      %add3A_25 = arith.addi %mul3A_2, %mul3A_10 : i32
      "tpu.region"() ({
        %run_scoped3A = tpu.sem_alloc : memref<!tpu.dma_semaphore, #tpu.memory_space<semaphore_mem>>
        %dma_start3A_27 = arith.constant 0 : i32
        %dma_start3A_28 = tpu.memref_slice %arg5[%add3A_25, %dma_start3A_27] : memref<32000x128xi32, #tpu.memory_space<hbm>> -> memref<40x128xi32, #tpu.memory_space<hbm>>
        %dma_start3A_29 = arith.constant 0 : i32
        %dma_start3A_30 = tpu.memref_slice %arg5[%add3A_25, %dma_start3A_29] : memref<32000x128xi32, #tpu.memory_space<hbm>> -> memref<40x128xi32, #tpu.memory_space<hbm>>
        tpu.enqueue_dma source(%arg9 : memref<40x128xi32, #tpu.memory_space<vmem>>) target(%dma_start3A_30 : memref<40x128xi32, #tpu.memory_space<hbm>>) target_semaphore(%run_scoped3A : memref<!tpu.dma_semaphore, #tpu.memory_space<semaphore_mem>>)
        %dma_wait3A_31 = arith.constant 0 : i32
        %dma_wait3A_32 = tpu.memref_slice %arg5[%add3A_25, %dma_wait3A_31] : memref<32000x128xi32, #tpu.memory_space<hbm>> -> memref<40x128xi32, #tpu.memory_space<hbm>>
        %dma_wait3A_33 = arith.constant 0 : i32
        %dma_wait3A_34 = tpu.memref_slice %arg5[%add3A_25, %dma_wait3A_33] : memref<32000x128xi32, #tpu.memory_space<hbm>> -> memref<40x128xi32, #tpu.memory_space<hbm>>
        tpu.wait_dma2 semaphore(%run_scoped3A : memref<!tpu.dma_semaphore, #tpu.memory_space<semaphore_mem>>) src(%arg9 : memref<40x128xi32, #tpu.memory_space<vmem>>) dst(%dma_wait3A_34 : memref<40x128xi32, #tpu.memory_space<hbm>>)
        tpu.yield
      }) : () -> ()
      %add3A_26 = arith.addi %mul3A_2, %mul3A_10 : i32
      "tpu.region"() ({
        %run_scoped3A = tpu.sem_alloc : memref<!tpu.dma_semaphore, #tpu.memory_space<semaphore_mem>>
        %dma_start3A_27 = arith.constant 0 : i32
        %dma_start3A_28 = tpu.memref_slice %arg6[%add3A_26, %dma_start3A_27] : memref<32000x128xi32, #tpu.memory_space<hbm>> -> memref<40x128xi32, #tpu.memory_space<hbm>>
        %dma_start3A_29 = arith.constant 0 : i32
        %dma_start3A_30 = tpu.memref_slice %arg6[%add3A_26, %dma_start3A_29] : memref<32000x128xi32, #tpu.memory_space<hbm>> -> memref<40x128xi32, #tpu.memory_space<hbm>>
        tpu.enqueue_dma source(%arg10 : memref<40x128xi32, #tpu.memory_space<vmem>>) target(%dma_start3A_30 : memref<40x128xi32, #tpu.memory_space<hbm>>) target_semaphore(%run_scoped3A : memref<!tpu.dma_semaphore, #tpu.memory_space<semaphore_mem>>)
        %dma_wait3A_31 = arith.constant 0 : i32
        %dma_wait3A_32 = tpu.memref_slice %arg6[%add3A_26, %dma_wait3A_31] : memref<32000x128xi32, #tpu.memory_space<hbm>> -> memref<40x128xi32, #tpu.memory_space<hbm>>
        %dma_wait3A_33 = arith.constant 0 : i32
        %dma_wait3A_34 = tpu.memref_slice %arg6[%add3A_26, %dma_wait3A_33] : memref<32000x128xi32, #tpu.memory_space<hbm>> -> memref<40x128xi32, #tpu.memory_space<hbm>>
        tpu.wait_dma2 semaphore(%run_scoped3A : memref<!tpu.dma_semaphore, #tpu.memory_space<semaphore_mem>>) src(%arg10 : memref<40x128xi32, #tpu.memory_space<vmem>>) dst(%dma_wait3A_34 : memref<40x128xi32, #tpu.memory_space<hbm>>)
        tpu.yield
      }) : () -> ()
    }
    %scan3A_7 = arith.constant 25 : i32
    return
  }
}

#map = affine_map<(d0, d1) -> (0, 0)>
#map1 = affine_map<(d0, d1) -> (0)>
module attributes {stable_mosaic.version = 14 : i64} {
  func.func @gather_kernel(%arg0: i32, %arg1: i32, %arg2: memref<10000x128xi32, #tpu.memory_space<hbm>>, %arg3: memref<32000xi32, #tpu.memory_space<hbm>>, %arg4: memref<32000xi32, #tpu.memory_space<hbm>>, %arg5: memref<32000x128xi32, #tpu.memory_space<hbm>>, %arg6: memref<32000x128xi32, #tpu.memory_space<hbm>>, %arg7: memref<1000xi32, #tpu.memory_space<vmem>>, %arg8: memref<1000xi32, #tpu.memory_space<vmem>>, %arg9: memref<40x128xi32, #tpu.memory_space<vmem>>, %arg10: memref<40x128xi32, #tpu.memory_space<vmem>>, %arg11: memref<!tpu.dma_semaphore, #tpu.memory_space<semaphore_mem>>, %arg12: memref<!tpu.dma_semaphore, #tpu.memory_space<semaphore_mem>>) attributes {dimension_semantics = [#tpu.dimension_semantics<core_parallel>, #tpu.dimension_semantics<subcore_parallel>], iteration_bounds = array<i64: 2, 16>, scalar_prefetch = 0 : i64, scratch_operands = 6 : i64, tpu.core_type = #tpu.core_type<sc_vector_subcore>, window_params = [{transform_indices = #map}, {transform_indices = #map1}, {transform_indices = #map1}, {transform_indices = #map}, {transform_indices = #map}]} {
    %mul3A = arith.constant 2 : i32
    %mul3A_0 = arith.muli %arg1, %mul3A : i32
    %add3A = arith.addi %mul3A_0, %arg0 : i32
    %mul3A_1 = arith.constant 1000 : i32
    %mul3A_2 = arith.muli %add3A, %mul3A_1 : i32
    "tpu.region"() ({
      %run_scoped3A = tpu.sem_alloc : memref<!tpu.dma_semaphore, #tpu.memory_space<semaphore_mem>>
      %dma_start3A = tpu.memref_slice %arg3[%mul3A_2] : memref<32000xi32, #tpu.memory_space<hbm>> -> memref<1000xi32, #tpu.memory_space<hbm>>
      %dma_start3A_8 = tpu.memref_slice %arg3[%mul3A_2] : memref<32000xi32, #tpu.memory_space<hbm>> -> memref<1000xi32, #tpu.memory_space<hbm>>
      tpu.enqueue_dma source(%dma_start3A_8 : memref<1000xi32, #tpu.memory_space<hbm>>) target(%arg7 : memref<1000xi32, #tpu.memory_space<vmem>>) target_semaphore(%run_scoped3A : memref<!tpu.dma_semaphore, #tpu.memory_space<semaphore_mem>>)
      %dma_wait3A = tpu.memref_slice %arg3[%mul3A_2] : memref<32000xi32, #tpu.memory_space<hbm>> -> memref<1000xi32, #tpu.memory_space<hbm>>
      %dma_wait3A_9 = tpu.memref_slice %arg3[%mul3A_2] : memref<32000xi32, #tpu.memory_space<hbm>> -> memref<1000xi32, #tpu.memory_space<hbm>>
      tpu.wait_dma2 semaphore(%run_scoped3A : memref<!tpu.dma_semaphore, #tpu.memory_space<semaphore_mem>>) src(%dma_wait3A_9 : memref<1000xi32, #tpu.memory_space<hbm>>) dst(%arg7 : memref<1000xi32, #tpu.memory_space<vmem>>)
      tpu.yield
    }) : () -> ()
    "tpu.region"() ({
      %run_scoped3A = tpu.sem_alloc : memref<!tpu.dma_semaphore, #tpu.memory_space<semaphore_mem>>
      %dma_start3A = tpu.memref_slice %arg4[%mul3A_2] : memref<32000xi32, #tpu.memory_space<hbm>> -> memref<1000xi32, #tpu.memory_space<hbm>>
      %dma_start3A_8 = tpu.memref_slice %arg4[%mul3A_2] : memref<32000xi32, #tpu.memory_space<hbm>> -> memref<1000xi32, #tpu.memory_space<hbm>>
      tpu.enqueue_dma source(%dma_start3A_8 : memref<1000xi32, #tpu.memory_space<hbm>>) target(%arg8 : memref<1000xi32, #tpu.memory_space<vmem>>) target_semaphore(%run_scoped3A : memref<!tpu.dma_semaphore, #tpu.memory_space<semaphore_mem>>)
      %dma_wait3A = tpu.memref_slice %arg4[%mul3A_2] : memref<32000xi32, #tpu.memory_space<hbm>> -> memref<1000xi32, #tpu.memory_space<hbm>>
      %dma_wait3A_9 = tpu.memref_slice %arg4[%mul3A_2] : memref<32000xi32, #tpu.memory_space<hbm>> -> memref<1000xi32, #tpu.memory_space<hbm>>
      tpu.wait_dma2 semaphore(%run_scoped3A : memref<!tpu.dma_semaphore, #tpu.memory_space<semaphore_mem>>) src(%dma_wait3A_9 : memref<1000xi32, #tpu.memory_space<hbm>>) dst(%arg8 : memref<1000xi32, #tpu.memory_space<vmem>>)
      tpu.yield
    }) : () -> ()
    %scan3A = arith.constant 0 : i32
    %scan3A_3 = arith.constant 0 : i32
    %scan3A_4 = arith.constant 25 : i32
    %scan3A_5 = arith.addi %scan3A_3, %scan3A_4 : i32
    %scan3A_6 = arith.constant 1 : i32
    scf.for %scan3A_8 = %scan3A_3 to %scan3A_5 step %scan3A_6  : i32 {
      %mul3A_9 = arith.constant 40 : i32
      %mul3A_10 = arith.muli %scan3A_8, %mul3A_9 : i32
      %dma_start3A = tpu.memref_slice %arg7[%mul3A_10] : memref<1000xi32, #tpu.memory_space<vmem>> -> memref<40xi32, #tpu.memory_space<vmem>>
      %dma_start3A_11 = arith.constant 0 : i32
      %dma_start3A_12 = arith.constant 0 : i32
      %dma_start3A_13 = tpu.memref_slice %arg2[%dma_start3A_11, %dma_start3A_12] : memref<10000x128xi32, #tpu.memory_space<hbm>> -> memref<10000x128xi32, #tpu.memory_space<hbm>>
      tpu.enqueue_indirect_dma source(%dma_start3A_13 : memref<10000x128xi32, #tpu.memory_space<hbm>>) target(%arg9 : memref<40x128xi32, #tpu.memory_space<vmem>>) offsets(%dma_start3A : memref<40xi32, #tpu.memory_space<vmem>>) semaphore(%arg11 : memref<!tpu.dma_semaphore, #tpu.memory_space<semaphore_mem>>)
      %dma_start3A_14 = tpu.memref_slice %arg8[%mul3A_10] : memref<1000xi32, #tpu.memory_space<vmem>> -> memref<40xi32, #tpu.memory_space<vmem>>
      %dma_start3A_15 = arith.constant 0 : i32
      %dma_start3A_16 = arith.constant 0 : i32
      %dma_start3A_17 = tpu.memref_slice %arg2[%dma_start3A_15, %dma_start3A_16] : memref<10000x128xi32, #tpu.memory_space<hbm>> -> memref<10000x128xi32, #tpu.memory_space<hbm>>
      tpu.enqueue_indirect_dma source(%dma_start3A_17 : memref<10000x128xi32, #tpu.memory_space<hbm>>) target(%arg10 : memref<40x128xi32, #tpu.memory_space<vmem>>) offsets(%dma_start3A_14 : memref<40xi32, #tpu.memory_space<vmem>>) semaphore(%arg12 : memref<!tpu.dma_semaphore, #tpu.memory_space<semaphore_mem>>)
      %dma_wait3A = tpu.memref_slice %arg7[%mul3A_10] : memref<1000xi32, #tpu.memory_space<vmem>> -> memref<40xi32, #tpu.memory_space<vmem>>
      %dma_wait3A_18 = arith.constant 0 : i32
      %dma_wait3A_19 = arith.constant 0 : i32
      %dma_wait3A_20 = tpu.memref_slice %arg2[%dma_wait3A_18, %dma_wait3A_19] : memref<10000x128xi32, #tpu.memory_space<hbm>> -> memref<10000x128xi32, #tpu.memory_space<hbm>>
      tpu.wait_indirect_dma semaphore(%arg11 : memref<!tpu.dma_semaphore, #tpu.memory_space<semaphore_mem>>) src(%dma_wait3A_20 : memref<10000x128xi32, #tpu.memory_space<hbm>>) dst(%arg9 : memref<40x128xi32, #tpu.memory_space<vmem>>)
      %dma_wait3A_21 = tpu.memref_slice %arg8[%mul3A_10] : memref<1000xi32, #tpu.memory_space<vmem>> -> memref<40xi32, #tpu.memory_space<vmem>>
      %dma_wait3A_22 = arith.constant 0 : i32
      %dma_wait3A_23 = arith.constant 0 : i32
      %dma_wait3A_24 = tpu.memref_slice %arg2[%dma_wait3A_22, %dma_wait3A_23] : memref<10000x128xi32, #tpu.memory_space<hbm>> -> memref<10000x128xi32, #tpu.memory_space<hbm>>
      tpu.wait_indirect_dma semaphore(%arg12 : memref<!tpu.dma_semaphore, #tpu.memory_space<semaphore_mem>>) src(%dma_wait3A_24 : memref<10000x128xi32, #tpu.memory_space<hbm>>) dst(%arg10 : memref<40x128xi32, #tpu.memory_space<vmem>>)
      %add3A_25 = arith.addi %mul3A_2, %mul3A_10 : i32
      "tpu.region"() ({
        %run_scoped3A = tpu.sem_alloc : memref<!tpu.dma_semaphore, #tpu.memory_space<semaphore_mem>>
        %dma_start3A_27 = arith.constant 0 : i32
        %dma_start3A_28 = tpu.memref_slice %arg5[%add3A_25, %dma_start3A_27] : memref<32000x128xi32, #tpu.memory_space<hbm>> -> memref<40x128xi32, #tpu.memory_space<hbm>>
        %dma_start3A_29 = arith.constant 0 : i32
        %dma_start3A_30 = tpu.memref_slice %arg5[%add3A_25, %dma_start3A_29] : memref<32000x128xi32, #tpu.memory_space<hbm>> -> memref<40x128xi32, #tpu.memory_space<hbm>>
        tpu.enqueue_dma source(%arg9 : memref<40x128xi32, #tpu.memory_space<vmem>>) target(%dma_start3A_30 : memref<40x128xi32, #tpu.memory_space<hbm>>) target_semaphore(%run_scoped3A : memref<!tpu.dma_semaphore, #tpu.memory_space<semaphore_mem>>)
        %dma_wait3A_31 = arith.constant 0 : i32
        %dma_wait3A_32 = tpu.memref_slice %arg5[%add3A_25, %dma_wait3A_31] : memref<32000x128xi32, #tpu.memory_space<hbm>> -> memref<40x128xi32, #tpu.memory_space<hbm>>
        %dma_wait3A_33 = arith.constant 0 : i32
        %dma_wait3A_34 = tpu.memref_slice %arg5[%add3A_25, %dma_wait3A_33] : memref<32000x128xi32, #tpu.memory_space<hbm>> -> memref<40x128xi32, #tpu.memory_space<hbm>>
        tpu.wait_dma2 semaphore(%run_scoped3A : memref<!tpu.dma_semaphore, #tpu.memory_space<semaphore_mem>>) src(%arg9 : memref<40x128xi32, #tpu.memory_space<vmem>>) dst(%dma_wait3A_34 : memref<40x128xi32, #tpu.memory_space<hbm>>)
        tpu.yield
      }) : () -> ()
      %add3A_26 = arith.addi %mul3A_2, %mul3A_10 : i32
      "tpu.region"() ({
        %run_scoped3A = tpu.sem_alloc : memref<!tpu.dma_semaphore, #tpu.memory_space<semaphore_mem>>
        %dma_start3A_27 = arith.constant 0 : i32
        %dma_start3A_28 = tpu.memref_slice %arg6[%add3A_26, %dma_start3A_27] : memref<32000x128xi32, #tpu.memory_space<hbm>> -> memref<40x128xi32, #tpu.memory_space<hbm>>
        %dma_start3A_29 = arith.constant 0 : i32
        %dma_start3A_30 = tpu.memref_slice %arg6[%add3A_26, %dma_start3A_29] : memref<32000x128xi32, #tpu.memory_space<hbm>> -> memref<40x128xi32, #tpu.memory_space<hbm>>
        tpu.enqueue_dma source(%arg10 : memref<40x128xi32, #tpu.memory_space<vmem>>) target(%dma_start3A_30 : memref<40x128xi32, #tpu.memory_space<hbm>>) target_semaphore(%run_scoped3A : memref<!tpu.dma_semaphore, #tpu.memory_space<semaphore_mem>>)
        %dma_wait3A_31 = arith.constant 0 : i32
        %dma_wait3A_32 = tpu.memref_slice %arg6[%add3A_26, %dma_wait3A_31] : memref<32000x128xi32, #tpu.memory_space<hbm>> -> memref<40x128xi32, #tpu.memory_space<hbm>>
        %dma_wait3A_33 = arith.constant 0 : i32
        %dma_wait3A_34 = tpu.memref_slice %arg6[%add3A_26, %dma_wait3A_33] : memref<32000x128xi32, #tpu.memory_space<hbm>> -> memref<40x128xi32, #tpu.memory_space<hbm>>
        tpu.wait_dma2 semaphore(%run_scoped3A : memref<!tpu.dma_semaphore, #tpu.memory_space<semaphore_mem>>) src(%arg10 : memref<40x128xi32, #tpu.memory_space<vmem>>) dst(%dma_wait3A_34 : memref<40x128xi32, #tpu.memory_space<hbm>>)
        tpu.yield
      }) : () -> ()
    }
    %scan3A_7 = arith.constant 25 : i32
    return
  }
}

module attributes {stable_mosaic.version = 14 : i64} {
  func.func @body(%arg0: i32, %arg1: memref<6400x128xi32, #tpu.memory_space<vmem>>, %arg2: memref<6400x128xi32, #tpu.memory_space<vmem>>, %arg3: memref<6400x256xf32, #tpu.memory_space<vmem>>, %arg4: memref<1x25x256xf32, #tpu.memory_space<vmem>>) attributes {dimension_semantics = [#tpu.dimension_semantics<arbitrary>], iteration_bounds = array<i64: 5>, scalar_prefetch = 0 : i64, scratch_operands = 0 : i64, tpu.core_type = #tpu.core_type<tc>, window_params = [{transform_indices = @transform_0, window_bounds = array<i64: 6400, 128>}, {transform_indices = @transform_1, window_bounds = array<i64: 6400, 128>}, {transform_indices = @transform_2, window_bounds = array<i64: 6400, 256>}, {transform_indices = @transform_3, window_bounds = array<i64: 1, 25, 256>}]} {
    %get3A = arith.constant 0 : index
    %get3A_0 = arith.constant 0 : index
    %get3A_1 = vector.load %arg1[%get3A, %get3A_0] : memref<6400x128xi32, #tpu.memory_space<vmem>>, vector<6400x128xi32>
    %shift_left3A = arith.constant 16 : i32
    %shift_left3A_2 = vector.broadcast %shift_left3A : i32 to vector<6400x128xi32>
    %shift_left3A_3 = arith.shli %get3A_1, %shift_left3A_2 : vector<6400x128xi32>
    %bitcast_convert_type3A = tpu.bitcast %shift_left3A_3 : vector<6400x128xi32> -> vector<6400x128xf32>
    %and3A = arith.constant -65536 : i32
    %and3A_4 = vector.broadcast %and3A : i32 to vector<6400x128xi32>
    %and3A_5 = arith.andi %get3A_1, %and3A_4 : vector<6400x128xi32>
    %bitcast_convert_type3A_6 = tpu.bitcast %and3A_5 : vector<6400x128xi32> -> vector<6400x128xf32>
    %get3A_7 = arith.constant 0 : index
    %get3A_8 = arith.constant 0 : index
    %get3A_9 = vector.load %arg2[%get3A_7, %get3A_8] : memref<6400x128xi32, #tpu.memory_space<vmem>>, vector<6400x128xi32>
    %shift_left3A_10 = arith.constant 16 : i32
    %shift_left3A_11 = vector.broadcast %shift_left3A_10 : i32 to vector<6400x128xi32>
    %shift_left3A_12 = arith.shli %get3A_9, %shift_left3A_11 : vector<6400x128xi32>
    %bitcast_convert_type3A_13 = tpu.bitcast %shift_left3A_12 : vector<6400x128xi32> -> vector<6400x128xf32>
    %and3A_14 = arith.constant -65536 : i32
    %and3A_15 = vector.broadcast %and3A_14 : i32 to vector<6400x128xi32>
    %and3A_16 = arith.andi %get3A_9, %and3A_15 : vector<6400x128xi32>
    %bitcast_convert_type3A_17 = tpu.bitcast %and3A_16 : vector<6400x128xi32> -> vector<6400x128xf32>
    %get3A_18 = arith.constant 0 : index
    %get3A_19 = arith.constant 0 : index
    %get3A_20 = vector.load %arg3[%get3A_18, %get3A_19] : memref<6400x256xf32, #tpu.memory_space<vmem>>, vector<6400x256xf32>
    %slice3A = vector.extract_strided_slice %get3A_20 {offsets = [0, 0], sizes = [6400, 128], strides = [1, 1]} : vector<6400x256xf32> to vector<6400x128xf32>
    %slice3A_21 = vector.extract_strided_slice %get3A_20 {offsets = [0, 128], sizes = [6400, 128], strides = [1, 1]} : vector<6400x256xf32> to vector<6400x128xf32>
    %sub3A = arith.subf %slice3A, %slice3A_21 : vector<6400x128xf32>
    %mul3A = arith.constant 57.4462662 : f32
    %mul3A_22 = vector.broadcast %mul3A : f32 to vector<6400x128xf32>
    %mul3A_23 = arith.mulf %sub3A, %mul3A_22 : vector<6400x128xf32>
    %mul3A_24 = arith.constant 0.318309873 : f32
    %mul3A_25 = vector.broadcast %mul3A_24 : f32 to vector<6400x128xf32>
    %mul3A_26 = arith.mulf %mul3A_23, %mul3A_25 : vector<6400x128xf32>
    %round3A = math.roundeven %mul3A_26 : vector<6400x128xf32>
    %mul3A_27 = arith.constant 3.140625 : f32
    %mul3A_28 = vector.broadcast %mul3A_27 : f32 to vector<6400x128xf32>
    %mul3A_29 = arith.mulf %round3A, %mul3A_28 : vector<6400x128xf32>
    %sub3A_30 = arith.subf %mul3A_23, %mul3A_29 : vector<6400x128xf32>
    %mul3A_31 = arith.constant 9.67653584E-4 : f32
    %mul3A_32 = vector.broadcast %mul3A_31 : f32 to vector<6400x128xf32>
    %mul3A_33 = arith.mulf %round3A, %mul3A_32 : vector<6400x128xf32>
    %sub3A_34 = arith.subf %sub3A_30, %mul3A_33 : vector<6400x128xf32>
    %mul3A_35 = arith.mulf %sub3A_34, %sub3A_34 : vector<6400x128xf32>
    %mul3A_36 = arith.constant -1.8447086E-4 : f32
    %mul3A_37 = vector.broadcast %mul3A_36 : f32 to vector<6400x128xf32>
    %mul3A_38 = arith.mulf %mul3A_35, %mul3A_37 : vector<6400x128xf32>
    %add3A = arith.constant 0.0083095124 : f32
    %add3A_39 = vector.broadcast %add3A : f32 to vector<6400x128xf32>
    %add3A_40 = arith.addf %add3A_39, %mul3A_38 : vector<6400x128xf32>
    %mul3A_41 = arith.mulf %mul3A_35, %add3A_40 : vector<6400x128xf32>
    %add3A_42 = arith.constant -0.166651681 : f32
    %add3A_43 = vector.broadcast %add3A_42 : f32 to vector<6400x128xf32>
    %add3A_44 = arith.addf %add3A_43, %mul3A_41 : vector<6400x128xf32>
    %mul3A_45 = arith.mulf %mul3A_35, %add3A_44 : vector<6400x128xf32>
    %add3A_46 = arith.constant 0.999997496 : f32
    %add3A_47 = vector.broadcast %add3A_46 : f32 to vector<6400x128xf32>
    %add3A_48 = arith.addf %add3A_47, %mul3A_45 : vector<6400x128xf32>
    %mul3A_49 = arith.mulf %sub3A_34, %add3A_48 : vector<6400x128xf32>
    %mul3A_50 = arith.constant 2.32374969E-5 : f32
    %mul3A_51 = vector.broadcast %mul3A_50 : f32 to vector<6400x128xf32>
    %mul3A_52 = arith.mulf %mul3A_35, %mul3A_51 : vector<6400x128xf32>
    %add3A_53 = arith.constant -0.00138574163 : f32
    %add3A_54 = vector.broadcast %add3A_53 : f32 to vector<6400x128xf32>
    %add3A_55 = arith.addf %add3A_54, %mul3A_52 : vector<6400x128xf32>
    %mul3A_56 = arith.mulf %mul3A_35, %add3A_55 : vector<6400x128xf32>
    %add3A_57 = arith.constant 0.04166409 : f32
    %add3A_58 = vector.broadcast %add3A_57 : f32 to vector<6400x128xf32>
    %add3A_59 = arith.addf %add3A_58, %mul3A_56 : vector<6400x128xf32>
    %mul3A_60 = arith.mulf %mul3A_35, %add3A_59 : vector<6400x128xf32>
    %add3A_61 = arith.constant -0.499999255 : f32
    %add3A_62 = vector.broadcast %add3A_61 : f32 to vector<6400x128xf32>
    %add3A_63 = arith.addf %add3A_62, %mul3A_60 : vector<6400x128xf32>
    %mul3A_64 = arith.mulf %mul3A_35, %add3A_63 : vector<6400x128xf32>
    %add3A_65 = arith.constant 0.99999994 : f32
    %add3A_66 = vector.broadcast %add3A_65 : f32 to vector<6400x128xf32>
    %add3A_67 = arith.addf %add3A_66, %mul3A_64 : vector<6400x128xf32>
    %convert_element_type3A = arith.fptosi %round3A : vector<6400x128xf32> to vector<6400x128xi32>
    %shift_left3A_68 = arith.constant 31 : i32
    %shift_left3A_69 = vector.broadcast %shift_left3A_68 : i32 to vector<6400x128xi32>
    %shift_left3A_70 = arith.shli %convert_element_type3A, %shift_left3A_69 : vector<6400x128xi32>
    %bitcast_convert_type3A_71 = tpu.bitcast %mul3A_49 : vector<6400x128xf32> -> vector<6400x128xi32>
    %xor3A = arith.xori %bitcast_convert_type3A_71, %shift_left3A_70 : vector<6400x128xi32>
    %bitcast_convert_type3A_72 = tpu.bitcast %xor3A : vector<6400x128xi32> -> vector<6400x128xf32>
    %bitcast_convert_type3A_73 = tpu.bitcast %add3A_67 : vector<6400x128xf32> -> vector<6400x128xi32>
    %xor3A_74 = arith.xori %bitcast_convert_type3A_73, %shift_left3A_70 : vector<6400x128xi32>
    %bitcast_convert_type3A_75 = tpu.bitcast %xor3A_74 : vector<6400x128xi32> -> vector<6400x128xf32>
    %mul3A_76 = arith.mulf %bitcast_convert_type3A, %bitcast_convert_type3A_13 : vector<6400x128xf32>
    %mul3A_77 = arith.mulf %bitcast_convert_type3A_6, %bitcast_convert_type3A_17 : vector<6400x128xf32>
    %add3A_78 = arith.addf %mul3A_76, %mul3A_77 : vector<6400x128xf32>
    %mul3A_79 = arith.mulf %bitcast_convert_type3A_6, %bitcast_convert_type3A_13 : vector<6400x128xf32>
    %mul3A_80 = arith.mulf %bitcast_convert_type3A, %bitcast_convert_type3A_17 : vector<6400x128xf32>
    %sub3A_81 = arith.subf %mul3A_79, %mul3A_80 : vector<6400x128xf32>
    %mul3A_82 = arith.mulf %bitcast_convert_type3A, %bitcast_convert_type3A : vector<6400x128xf32>
    %mul3A_83 = arith.mulf %bitcast_convert_type3A_6, %bitcast_convert_type3A_6 : vector<6400x128xf32>
    %add3A_84 = arith.addf %mul3A_82, %mul3A_83 : vector<6400x128xf32>
    %mul3A_85 = arith.mulf %bitcast_convert_type3A_13, %bitcast_convert_type3A_13 : vector<6400x128xf32>
    %mul3A_86 = arith.mulf %bitcast_convert_type3A_17, %bitcast_convert_type3A_17 : vector<6400x128xf32>
    %add3A_87 = arith.addf %mul3A_85, %mul3A_86 : vector<6400x128xf32>
    %add3A_88 = arith.addf %add3A_84, %add3A_87 : vector<6400x128xf32>
    %mul3A_89 = arith.mulf %add3A_78, %bitcast_convert_type3A_75 : vector<6400x128xf32>
    %mul3A_90 = arith.mulf %sub3A_81, %bitcast_convert_type3A_72 : vector<6400x128xf32>
    %sub3A_91 = arith.subf %mul3A_89, %mul3A_90 : vector<6400x128xf32>
    %mul3A_92 = arith.constant 2.000000e+00 : f32
    %mul3A_93 = vector.broadcast %mul3A_92 : f32 to vector<6400x128xf32>
    %mul3A_94 = arith.mulf %mul3A_93, %sub3A_91 : vector<6400x128xf32>
    %sub3A_95 = arith.subf %add3A_88, %mul3A_94 : vector<6400x128xf32>
    %max3A = arith.constant 0.000000e+00 : f32
    %max3A_96 = vector.broadcast %max3A : f32 to vector<6400x128xf32>
    %max3A_97 = arith.maximumf %sub3A_95, %max3A_96 : vector<6400x128xf32>
    %sqrt3A = math.sqrt %max3A_97 : vector<6400x128xf32>
    %reduce_sum3A = arith.constant dense<0.000000e+00> : vector<6400xf32>
    %reduce_sum3A_98 = vector.multi_reduction <add>, %sqrt3A, %reduce_sum3A [1] : vector<6400x128xf32> to vector<6400xf32>
    %sub3A_99 = arith.constant 1.200000e+01 : f32
    %sub3A_100 = vector.broadcast %sub3A_99 : f32 to vector<6400xf32>
    %sub3A_101 = arith.subf %sub3A_100, %reduce_sum3A_98 : vector<6400xf32>
    %reshape3A = vector.shape_cast %sub3A_101 : vector<6400xf32> to vector<1x25x256xf32>
    %swap3A = arith.constant 0 : index
    %swap3A_102 = arith.constant 0 : index
    %swap3A_103 = arith.constant 0 : index
    %swap3A_104 = vector.load %arg4[%swap3A, %swap3A_102, %swap3A_103] : memref<1x25x256xf32, #tpu.memory_space<vmem>>, vector<1x25x256xf32>
    tpu.vector_store %arg4[%swap3A, %swap3A_102, %swap3A_103], %reshape3A {strides = array<i32>} : memref<1x25x256xf32, #tpu.memory_space<vmem>>, vector<1x25x256xf32>,
    return
  }
  func.func @transform_0(%arg0: i32) -> (i32, i32) {
    %c0_i32 = arith.constant 0 : i32
    %c0_i32_0 = arith.constant 0 : i32
    return %arg0, %c0_i32 : i32, i32
  }
  func.func @transform_1(%arg0: i32) -> (i32, i32) {
    %c0_i32 = arith.constant 0 : i32
    %c0_i32_0 = arith.constant 0 : i32
    return %arg0, %c0_i32 : i32, i32
  }
  func.func @transform_2(%arg0: i32) -> (i32, i32) {
    %c0_i32 = arith.constant 0 : i32
    %c0_i32_0 = arith.constant 0 : i32
    return %arg0, %c0_i32 : i32, i32
  }
  func.func @transform_3(%arg0: i32) -> (i32, i32, i32) {
    %c0_i32 = arith.constant 0 : i32
    %c0_i32_0 = arith.constant 0 : i32
    %c0_i32_1 = arith.constant 0 : i32
    return %arg0, %c0_i32, %c0_i32_0 : i32, i32, i32
  }
}

</mosaic_0001>

<sc_bundles>
// kernel: kernel.12.cloned.1.call-start
scs
__scs_entry_jumppad:
0x0: {  	(pc) =	sbr.rel $0x88, $3  }
0x1: {  	(tag) =	ssettag $0x0;
	lr =	simm.s32 $0x1  }
0x2: {  	[smem:$0x3F9E] =	sst lr;
	_ =	strace $0xD0000000  }
0x3: {  	_ = 	snop  }
0x4: {  	_ = 	snop  }
0x5: {  	_ = 	snop  }
0x6: {  	_ = 	snop  }
0x7: {  	_ = 	snop  }
__scs_overlays_trampoline_lowered:
0x8: {  	[smem:$0x3FAD] =	sst s0  }
0x9: {  	[smem:$0x3FAE] =	sst s1  }
0xa: {  	[smem:$0x3FAF] =	sst s2  }
0xb: {  	[smem:$0x3FB0] =	sst s3  }
0xc: {  	[smem:$0x3FB1] =	sst s4  }
0xd: {  	[smem:$0x3FB2] =	sst s5  }
0xe: {  	[smem:$0x3FB3] =	sst s6  }
0xf: {  	[smem:$0x3FB4] =	sst s7  }
0x10: {  	[smem:$0x3FB5] =	sst s8  }
0x11: {  	[smem:$0x3FB6] =	sst s9;
	s0 =	simm.s32 @!p0 $0x0  }
0x12: {  	s1 =	sld [smem:$0x3F9C];
	s0 =	simm.s32 @p0 $0x1  }
0x13: {  	[smem:$0x3FB7] =	sst s0;
	s0 =	simm.s32 @!p1 $0x0  }
0x14: {  	s2 =	sld [smem:$0x3F9B];
	s0 =	simm.s32 @p1 $0x1  }
0x15: {  	[smem:$0x3FB8] =	sst s0;
	s0 =	simm.s32 @!p2 $0x0  }
0x16: {  	s3 =	sld [smem:$0x3FDB];
	s0 =	simm.s32 @p2 $0x1  }
0x17: {  	s4 =	simm.s32 $0x1BF5;
	[smem:$0x3FBA] =	sst s0  }
0x18: {  	s0 =	sld [smem:$0x3F9D];
	_ =	swait.ge [sflag:s4], $0x0  }
0x19: {  	s7 =	sld [smem:$0x3F9E]  }
0x1a: {  	s8 =	sadd.s32 $0xFFFFE003, lr  }
0x1b: {  	s9 =	sadd.s32 $0xFFFFFEF7, lr;
	s5 =	simm.s32 $0xFFFFFFFF;
	p2 =	slt.u32 s8, $0xFFFFF086  }
0x1c: {  	p1 =	slt.u32 s9, $0xF7A;
	s5 =	simm.s32 @!p2 $0x0  }
0x1d: {  	s5 =	simm.s32 @p1 $0x1;
	p0 =	seq.s32 s7, s2  }
0x1e: {  	s7 =	smul.u32 @!p0 $0xF7A, s2;
	p2 =	seq.s32 @!p0 s5, $0x0  }
0x1f: {  	s9 =	smul.u32 $0xF7A, s1;
	s8 =	simm.s32 @!p0 $0x1BF5;
	p2 =	por !p2, p0  }
0x20: {  	[sflag:s8] =	ssyncset.s32 @!p0 $0xFFFFF086;
	s6 =	sadd.s32 @!p0 s3, s7;
	s7 =	simm.s32 @!p0 $0x108  }
0x21: {  	s3 =	sadd.s32 s3, s9;
	s6 =	sadd.s32 @!p0 $0x88, s6;
	s7 =	simm.s32 @p2 $0x1082  }
0x22: {  	[simem:s7], [sflag:s8] =	dma.local @!p0 [hbm:s6], $0xF7A  }
0x23: {  	s9 =	sor.u32 $0xD0000000, s2;
	s6 =	simm.s32 $0x108;
	_ =	swait.ge @!p0 [sflag:s8], $0x0  }
0x24: {  	s3 =	sadd.s32 $0x88, s3;
	s6 =	simm.s32 @!p1 $0x1082;
	[sflag:s4] =	ssyncset.s32 $0xFFFFF086  }
0x25: {  	[simem:s6], [sflag:s4] =	dma.local [hbm:s3], $0xF7A  }
0x26: {  	[smem:$0x3F9E] =	sst s1;
	(tag) =	ssettag s2;
	_ =	strace s9  }
0x27: {  	s1 =	sld [smem:$0x3FAE]  }
0x28: {  	s2 =	sld [smem:$0x3FAF]  }
0x29: {  	s4 =	sld [smem:$0x3FB1]  }
0x2a: {  	p0 =	seq.s32 s5, $0x0;
	s5 =	sld [smem:$0x3FB2]  }
0x2b: {  	s6 =	sld [smem:$0x3FB3]  }
0x2c: {  	s7 =	sld [smem:$0x3FB4]  }
0x2d: {  	s3 =	simm.s32 $0x108;
	s8 =	sld [smem:$0x3FB5]  }
0x2e: {  	s3 =	simm.s32 @!p0 $0x1082;
	s9 =	sld [smem:$0x3FB6]  }
0x2f: {  	lr =	sadd.s32 s0, s3;
	s0 =	sld [smem:$0x3FAD]  }
0x30: {  	s3 =	sld [smem:$0x3FB0]  }
0x31: {  	[smem:$0x3FB9] =	sst s10  }
0x32: {  	s10 =	sld [smem:$0x3FB7];
	_ =	sdelay $0x3  }
0x33: {  	p0 =	seq.s32 s10, $0x1;
	s10 =	sld [smem:$0x3FB9];
	_ =	sdelay $0x3  }
0x34: {  	[smem:$0x3FB9] =	sst s10  }
0x35: {  	s10 =	sld [smem:$0x3FB8];
	_ =	sdelay $0x3  }
0x36: {  	p1 =	seq.s32 s10, $0x1;
	s10 =	sld [smem:$0x3FB9];
	_ =	sdelay $0x3  }
0x37: {  	[smem:$0x3FB9] =	sst s10  }
0x38: {  	s10 =	sld [smem:$0x3FBA]  }
0x39: {  	_ = 	snop;
	(pc) =	sbr.ind lr, $3  }
0x3a: {  	_ = 	snop  }
0x3b: {  	_ = 	snop  }
0x3c: {  	p2 =	seq.s32 s10, $0x1;
	s10 =	sld [smem:$0x3FB9]  }
0x3d: {  	_ =	shalt  }
0x3e: {  	_ =	shalt  }
0x3f: {  	_ =	shalt  }
0x40: {  	_ =	shalt  }
0x41: {  	_ =	shalt  }
0x42: {  	_ =	shalt  }
0x43: {  	_ =	shalt  }
0x44: {  	_ =	shalt  }
0x45: {  	_ =	shalt  }
0x46: {  	_ =	shalt  }
0x47: {  	_ =	shalt  }
0x48: {  	_ =	shalt  }
0x49: {  	_ =	shalt  }
0x4a: {  	_ =	shalt  }
0x4b: {  	_ =	shalt  }
0x4c: {  	_ =	shalt  }
0x4d: {  	_ =	shalt  }
0x4e: {  	_ =	shalt  }
0x4f: {  	_ =	shalt  }
0x50: {  	_ =	shalt  }
0x51: {  	_ =	shalt  }
0x52: {  	_ =	shalt  }
0x53: {  	_ =	shalt  }
0x54: {  	_ =	shalt  }
0x55: {  	_ =	shalt  }
0x56: {  	_ =	shalt  }
0x57: {  	_ =	shalt  }
0x58: {  	_ =	shalt  }
0x59: {  	_ =	shalt  }
0x5a: {  	_ =	shalt  }
0x5b: {  	_ =	shalt  }
0x5c: {  	_ =	shalt  }
0x5d: {  	_ =	shalt  }
0x5e: {  	_ =	shalt  }
0x5f: {  	_ =	shalt  }
0x60: {  	_ =	shalt  }
0x61: {  	_ =	shalt  }
0x62: {  	_ =	shalt  }
0x63: {  	_ =	shalt  }
0x64: {  	_ =	shalt  }
0x65: {  	_ =	shalt  }
0x66: {  	_ =	shalt  }
0x67: {  	_ =	shalt  }
0x68: {  	_ =	shalt  }
0x69: {  	_ =	shalt  }
0x6a: {  	_ =	shalt  }
0x6b: {  	_ =	shalt  }
0x6c: {  	_ =	shalt  }
0x6d: {  	_ =	shalt  }
0x6e: {  	_ =	shalt  }
0x6f: {  	_ =	shalt  }
0x70: {  	_ =	shalt  }
0x71: {  	_ =	shalt  }
0x72: {  	_ =	shalt  }
0x73: {  	_ =	shalt  }
0x74: {  	_ =	shalt  }
0x75: {  	_ =	shalt  }
0x76: {  	_ =	shalt  }
0x77: {  	_ =	shalt  }
0x78: {  	_ =	shalt  }
0x79: {  	_ =	shalt  }
0x7a: {  	_ =	shalt  }
0x7b: {  	_ =	shalt  }
0x7c: {  	_ =	shalt  }
0x7d: {  	_ =	shalt  }
0x7e: {  	_ =	shalt  }
0x7f: {  	_ =	shalt  }
0x80: {  	_ =	shalt  }
0x81: {  	_ =	shalt  }
0x82: {  	_ =	shalt  }
0x83: {  	_ =	shalt  }
0x84: {  	_ =	shalt  }
0x85: {  	_ =	shalt  }
0x86: {  	_ =	shalt  }
0x87: {  	_ =	shalt  }
.Lfunc_end0:
.L_simem_size_0:
called_computation_lowered:
.L_overlay_start_0:
0x88: {  	s2 =	sld [smem:$0x3FD9]  }
0x89: {  	s3 =	sld [smem:$0x3FFE];
	_ =	sdelay $0x1  }
0x8a: {  	s1 =	srdreg.scid  }
0x8b: {  	s0 =	sand.u32 $0x1, s1  }
0x8c: {  	s16 =	sshll.u32 s0, $0xA;
	s2 =	sadd.s32 s3, s2  }
0x8d: {  	s2 =	sadd.s32 s2, s16  }
0x8e: {  	[smem:$0x3FC5] =	sst s2  }
0x8f: {  	_ = 	snop  }
0x90: {  	(tm) =	ssettm $0x1  }
0x91: {  	s17 =	sld [smem:$0x3FFB];
	_ =	sdelay $0x3  }
0x92: {  	_ =	strace s17  }
0x93: {  	s2 =	sld [smem:$0x3FFC];
	_ =	sdelay $0x3  }
0x94: {  	_ =	strace s2  }
0x95: {  	s2 =	sld [smem:$0x3FFD];
	_ =	sdelay $0x3  }
0x96: {  	_ =	strace s2  }
0x97: {  	_ =	strace $0x8FFFFFFF  }
0x98: {  	s18 =	sld [smem:$0x3FDB];
	_ =	sdelay $0x1  }
0x99: {  	s19 =	simm.s32 $_scs_section_size  }
0x9a: {  	s4 =	simm.s32 $_size__tile_overlayer_lowered;
	s5 =	simm.s32 $_tile_overlayer_lowered  }
0x9b: {  	s22 =	simm.s32 $0x1BFF;
	s21 =	sshll.u32 s5, $0x1;
	s2 =	sadd.s32 s19, s18  }
0x9c: {  	s6 =	simm.s32 $0x0;
	s20 =	sshll.u32 s4, $0x1;
	s4 =	sadd.s32 s21, s2  }
0x9d: {  	[timem:s6], [sflag:s22] =	dma.local [hbm:s4], s20  }
0x9e: {  	_ =	swait.ge [sflag:s22], s20  }
0x9f: {  	s3 =	ssub.s32 $0x0, s20;
	[sflag:s22] =	ssyncset.done $0x0  }
0xa0: {  	[sflag:s22] =	ssyncadd.s32 s3;
	_ =	sdelay $0x1  }
0xa1: {  	s23 =	simm.s32 $0x1B8B  }
0xa2: {  	_ =	swait.ge [sflag:s23], $0x1  }
0xa3: {  	[sflag:s23] =	ssyncset.done $0x0  }
0xa4: {  	s25 =	simm.s32 $0x1B8E;
	s24 =	sld [smem:$0x3FFE];
	[sflag:s23] =	ssyncadd.s32 $0xFFFFFFFF  }
0xa5: {  	s26 =	simm.s32 $execute0_lowered;
	[smem:$0x3FD2] =	sst s25  }
0xa6: {  	s4 =	sshll.u32 s26, $0x1;
	_ =	strace $0x80000046;
	[dreg:$0x1] =	wrdreg $0xFFFFFFFF  }
0xa7: {  	s28 =	simm.s32 $_size_execute0_lowered;
	s2 =	sadd.s32 s2, s4;
	[dreg:$0x0] =	wrdreg $0x0  }
0xa8: {  	s4 =	sshll.u32 s28, $0x1;
	[dreg:$0x2] =	wrdreg s2  }
0xa9: {  	[dreg:$0x3] =	wrdreg s4  }
0xaa: {  	[dreg:$0x4] =	wrdreg $0xC0  }
0xab: {  	_ =	task [dreg:s6], $0x5FFFF  }
0xac: {  	[dreg:$0x1] =	wrdreg $0xFFFFFFFF  }
0xad: {  	[dreg:$0x0] =	wrdreg $0x60  }
0xae: {  	[dreg:$0x2] =	wrdreg s24  }
0xaf: {  	[dreg:$0x3] =	wrdreg $0x9  }
0xb0: {  	_ =	task.clear_ibuf [dreg:s6], $0x4FFFF;
	_ =	strace $0x90000046  }
0xb1: {  	s29 =	simm.s32 $0x9;
	_ =	strace $0x80000048  }
0xb2: {  	_ =	swait.ge [sflag:s29], $0x1  }
0xb3: {  	[sflag:s29] =	ssyncadd.s32 $0xFFFFFFFF  }
0xb4: {  	_ =	strace $0x90000048  }
0xb5: {  	_ =	sfence  }
0xb6: {  	s30 =	sld [smem:$0x0];
	_ =	sdelay $0x2  }
0xb7: {  	s31 =	sshll.u32 s1, $0xD;
	s1 =	sshrl.u32 s1, $0x2  }
0xb8: {  	s3 =	sand.u32 $0x4000, s31;
	s1 =	sadd.s32 s1, s30  }
0xb9: {  	s0 =	sor.u32 s3, s0;
	s1 =	sshll.u32 s1, $0x11  }
0xba: {  	s0 =	sor.u32 s1, s0  }
0xbb: {  	s0 =	sadd.s32 $0x8F2B, s0  }
0xbc: {  	[sflag:s0] =	ssyncadd.remote.s32 $0x1  }
0xbd: {  	_ =	sfence.sel $0xFFFF  }
0xbe: {  	[dreg:$0x0] =	wrdreg $0xFFFFFFFF;
	(pc) =	sbr.abs _section_cstart, $3  }
0xbf: {  	[dreg:$0x1] =	wrdreg $0xFFFFFFFF  }
0xc0: {  	_ =	task.clear_ibuf [dreg:s6], $0x2FFFF;
	_ =	strace $0x9FFFFFFF  }
0xc1: {  	(tm) =	ssettm $0x7FFFFFFF  }
tec
execute0_lowered:
.L_overlay_start_1:
0x0: {  	(tag) =	ssettag $0x1  }
0x1: {  	s1 =	srdreg.scid  }
0x2: {  	s0 =	stileid.u32;
	s4 =	rddreg [dreg:$0x0];
	s2 =	simm.s32 $0x0  }
0x3: {  	s10 =	simm.s32 $0x400;
	s11 =	simm.s32 $0x28;
	s12 =	simm.s32 $0x800  }
0x4: {  	s13 =	simm.s32 $0x1C00;
	s14 =	simm.s32 $0x1;
	s15 =	simm.s32 $0x2  }
0x5: {  	s16 =	simm.s32 $0x0;
	s5 =	sand.u32 $0x1, s1;
	s3 =	sshll.u32 s0, $0x1  }
0x6: {  	[smem:$0x7FF] =	sst s2;
	s7 =	smul.u32 $0x7D00, s0;
	s3 =	sor.u32 s5, s3  }
0x7: {  	s1 =	rddreg [dreg:$0x1];
	_ =	strace $0x80000047;
	s6 =	smul.u32 $0x3E8, s3  }
0x8: {  	s8 =	ssub.s32 $0x2, s5;
	s5 =	smul.u32 $0x3E80, s5;
	s3 =	sadd.s32 $0x2600, s4  }
0x9: {  	s7 =	sadd.s32 s7, s4;
	s31 =	sshrl.u32 s8, $0x1;
	s6 =	sshrl.u32 s6, $0x3  }
0xa: {  	s8 =	ssub.s32 s8, s31;
	s9 =	sadd.s32 s5, s7;
	s6 =	sadd.s32 s6, s4  }
0xb: {  	s7 =	sadd.s32 $0x2B800, s9;
	s4 =	sadd.s32 $0x2A800, s6;
	s5 =	sadd.s32 $0x29800, s6  }
0xc: {  	s6 =	smax.u32 s8, $0x1;
	s8 =	sadd.s32 $0xA8800, s9;
	s9 =	simm.s32 $0x3  }
.LBB2_1:
0xd: {  	[tilespmem:s2], [sflag:$0x3] =	stream.linear.gather [hbm4b:s4+s2], $0x3E8, $0x38;
	[tilespmem:$0x3000] =	vst v63  }
0xe: {  	_ =	swait.ge [sflag:s9], $0x3E8  }
0xf: {  	[sflag:s9] =	ssyncset.done $0x0  }
0x10: {  	[sflag:s9] =	ssyncadd.s32 $0xFFFFFC18  }
0x11: {  	[tilespmem:s10], [sflag:$0x3] =	stream.linear.gather [hbm4b:s5+s2], $0x3E8, $0x38;
	[tilespmem:$0x3000] =	vst v63  }
0x12: {  	_ =	swait.ge [sflag:s9], $0x3E8  }
0x13: {  	[sflag:s9] =	ssyncset.done $0x0  }
0x14: {  	s17 =	simm.s32 $0x0;
	[sflag:s9] =	ssyncadd.s32 $0xFFFFFC18  }
0x15: {  	[tilespmem:s12], [sflag:$0x1] =	stream.indirect.gather [hbm4b:s3+s11], $0x80, s17, s11, $0xb8;
	[tilespmem:$0x3000] =	vst v63  }
0x16: {  	s31 =	simm.s32 $0x400  }
0x17: {  	[tilespmem:s13], [sflag:$0x2] =	stream.indirect.gather [hbm4b:s3+s11], $0x80, s31, s11, $0xb8;
	[tilespmem:$0x3000] =	vst v63  }
0x18: {  	_ =	swait.ge [sflag:s14], $0x1400  }
0x19: {  	[sflag:s14] =	ssyncset.done $0x0  }
0x1a: {  	[sflag:s14] =	ssyncadd.s32 $0xFFFFEC00  }
0x1b: {  	_ =	swait.ge [sflag:s15], $0x1400  }
0x1c: {  	[sflag:s15] =	ssyncset.done $0x0  }
0x1d: {  	[sflag:s15] =	ssyncadd.s32 $0xFFFFEC00  }
0x1e: {  	[hbm4b:s7+s2] =	stream.linear.scatter [tilespmem:s12], [sflag:$0x3], $0x1400, $0x38;
	[tilespmem:$0x3000] =	vst v63  }
0x1f: {  	_ =	swait.ge [sflag:s9], $0x1400  }
0x20: {  	[sflag:s9] =	ssyncset.done $0x0  }
0x21: {  	[sflag:s9] =	ssyncadd.s32 $0xFFFFEC00  }
0x22: {  	[hbm4b:s8+s2] =	stream.linear.scatter [tilespmem:s13], [sflag:$0x3], $0x1400, $0x38;
	[tilespmem:$0x3000] =	vst v63  }
0x23: {  	s19 =	simm.s32 $0xA0;
	s20 =	simm.s32 $0x140;
	_ =	swait.ge [sflag:s9], $0x1400  }
0x24: {  	s18 =	sadd.s32 $0x280, s7;
	s17 =	sadd.s32 $0x280, s8;
	[sflag:s9] =	ssyncset.done $0x0  }
.LBB2_2:
0x25: {  	s21 =	sshra.s32 s19, $0x2  }
0x26: {  	[sflag:s9] =	ssyncadd.s32 $0xFFFFEC00;
	s19 =	smov.u32 s20;
	s22 =	sadd.s32 $0xA0, s20  }
0x27: {  	[tilespmem:s12], [sflag:$0x1] =	stream.indirect.gather [hbm4b:s3+s11], $0x80, s21, s11, $0xb8;
	[tilespmem:$0x3000] =	vst v63  }
0x28: {  	p0 =	sne.s32 s20, $0xF00;
	s20 =	sadd.s32 $0x400, s21  }
0x29: {  	[tilespmem:s13], [sflag:$0x2] =	stream.indirect.gather [hbm4b:s3+s11], $0x80, s20, s11, $0xb8;
	[tilespmem:$0x3000] =	vst v63  }
0x2a: {  	_ =	swait.ge [sflag:s14], $0x1400  }
0x2b: {  	[sflag:s14] =	ssyncset.done $0x0  }
0x2c: {  	[sflag:s14] =	ssyncadd.s32 $0xFFFFEC00  }
0x2d: {  	_ =	swait.ge [sflag:s15], $0x1400  }
0x2e: {  	[sflag:s15] =	ssyncset.done $0x0  }
0x2f: {  	[sflag:s15] =	ssyncadd.s32 $0xFFFFEC00  }
0x30: {  	[hbm4b:s18+s2] =	stream.linear.scatter [tilespmem:s12], [sflag:$0x3], $0x1400, $0x38;
	[tilespmem:$0x3000] =	vst v63  }
0x31: {  	_ =	swait.ge [sflag:s9], $0x1400  }
.Ltmp0:
0x32: {  	[sflag:s9] =	ssyncset.done $0x0;
	(pc) =	sbr.rel @p0 .LBB2_2-.Ltmp0, $4  }
0x33: {  	[sflag:s9] =	ssyncadd.s32 $0xFFFFEC00  }
0x34: {  	[hbm4b:s17+s2] =	stream.linear.scatter [tilespmem:s13], [sflag:$0x3], $0x1400, $0x38;
	[tilespmem:$0x3000] =	vst v63  }
0x35: {  	s20 =	smov.u32 s22;
	_ =	swait.ge [sflag:s9], $0x1400  }
0x36: {  	s18 =	sadd.s32 $0x280, s18;
	s17 =	sadd.s32 $0x280, s17;
	[sflag:s9] =	ssyncset.done $0x0  }
0x37: {  	s19 =	sshra.s32 s19, $0x2;
	[sflag:s9] =	ssyncadd.s32 $0xFFFFEC00  }
0x38: {  	[tilespmem:s12], [sflag:$0x1] =	stream.indirect.gather [hbm4b:s3+s11], $0x80, s19, s11, $0xb8;
	[tilespmem:$0x3000] =	vst v63  }
0x39: {  	s19 =	sadd.s32 $0x400, s19  }
0x3a: {  	[tilespmem:s13], [sflag:$0x2] =	stream.indirect.gather [hbm4b:s3+s11], $0x80, s19, s11, $0xb8;
	[tilespmem:$0x3000] =	vst v63  }
0x3b: {  	_ =	swait.ge [sflag:s14], $0x1400  }
0x3c: {  	[sflag:s14] =	ssyncset.done $0x0  }
0x3d: {  	[sflag:s14] =	ssyncadd.s32 $0xFFFFEC00  }
0x3e: {  	_ =	swait.ge [sflag:s15], $0x1400  }
0x3f: {  	[sflag:s15] =	ssyncset.done $0x0  }
0x40: {  	[sflag:s15] =	ssyncadd.s32 $0xFFFFEC00  }
0x41: {  	[hbm4b:s18+s2] =	stream.linear.scatter [tilespmem:s12], [sflag:$0x3], $0x1400, $0x38;
	[tilespmem:$0x3000] =	vst v63  }
0x42: {  	s16 =	sadd.s32 $0x1, s16;
	_ =	swait.ge [sflag:s9], $0x1400  }
0x43: {  	p0 =	sne.s32 s16, s6;
	[sflag:s9] =	ssyncset.done $0x0  }
.Ltmp1:
0x44: {  	[sflag:s9] =	ssyncadd.s32 $0xFFFFEC00;
	(pc) =	sbr.rel @p0 .LBB2_1-.Ltmp1, $4  }
0x45: {  	[hbm4b:s17+s2] =	stream.linear.scatter [tilespmem:s13], [sflag:$0x3], $0x1400, $0x38;
	[tilespmem:$0x3000] =	vst v63  }
0x46: {  	_ =	swait.ge [sflag:s9], $0x1400  }
0x47: {  	[sflag:s9] =	ssyncset.done $0x0  }
0x48: {  	[sflag:s9] =	ssyncadd.s32 $0xFFFFEC00  }
0x49: {  	_ =	sfence.sel $0x180000  }
0x4a: {  	[bflag:$0x0] =	sbarrier.arrive $0xFFFF  }
0x4b: {  	p0 =	sne.s32 s0, $0x0;
	_ =	strace $0x90000047  }
0x4c: {  	s0 =	sadd.s32 @!p0 $0x100000, s1;
	[bflag:$0x2] =	sbarrier.arrive $0xFFFF  }
0x4d: {  	[sflag:s0] =	ssyncadd.tile.s32 @!p0 $0x1;
	_ =	shalt  }
.Lfunc_end2:
_tile_overlayer_lowered:
.L_overlay_start_2:
0x4e: {  	(tag) =	ssettag $0x2  }
0x4f: {  	s0 =	rddreg [dreg:$0x0];
	s2 =	stileid.u32  }
0x50: {  	s1 =	rddreg [dreg:$0x1];
	p0 =	sne.s32 s2, $0x0  }
0x51: {  	s3 =	rddreg [dreg:$0x2];
	[bflag:$0x3] =	sbarrier.arrive $0xFFFF;
	s2 =	simm.s32 @!p0 $0x1C03  }
0x52: {  	[timem:s3], [sflag:s2] =	dma.local @!p0 [hbm:s0], s1  }
0x53: {  	s0 =	simm.s32 @!p0 $0x3  }
0x54: {  	_ =	swait.ge @!p0 [sflag:s0], s1  }
0x55: {  	s1 =	ssub.s32 @!p0 $0x0, s1;
	[sflag:s0] =	ssyncset.done @!p0 $0x0  }
0x56: {  	[sflag:s0] =	ssyncadd.s32 @!p0 s1  }
0x57: {  	[bflag:$0x3] =	sbarrier.arrive $0xFFFF  }
0x58: {  	_ =	shalt  }

// kernel: kernel.15.cloned.1.call-start
scs
__scs_entry_jumppad:
0x0: {  	(pc) =	sbr.rel $0x88, $3  }
0x1: {  	(tag) =	ssettag $0x0;
	lr =	simm.s32 $0x1  }
0x2: {  	[smem:$0x3F9E] =	sst lr;
	_ =	strace $0xD0000000  }
0x3: {  	_ = 	snop  }
0x4: {  	_ = 	snop  }
0x5: {  	_ = 	snop  }
0x6: {  	_ = 	snop  }
0x7: {  	_ = 	snop  }
__scs_overlays_trampoline_lowered:
0x8: {  	[smem:$0x3FAD] =	sst s0  }
0x9: {  	[smem:$0x3FAE] =	sst s1  }
0xa: {  	[smem:$0x3FAF] =	sst s2  }
0xb: {  	[smem:$0x3FB0] =	sst s3  }
0xc: {  	[smem:$0x3FB1] =	sst s4  }
0xd: {  	[smem:$0x3FB2] =	sst s5  }
0xe: {  	[smem:$0x3FB3] =	sst s6  }
0xf: {  	[smem:$0x3FB4] =	sst s7  }
0x10: {  	[smem:$0x3FB5] =	sst s8  }
0x11: {  	[smem:$0x3FB6] =	sst s9;
	s0 =	simm.s32 @!p0 $0x0  }
0x12: {  	s1 =	sld [smem:$0x3F9C];
	s0 =	simm.s32 @p0 $0x1  }
0x13: {  	[smem:$0x3FB7] =	sst s0;
	s0 =	simm.s32 @!p1 $0x0  }
0x14: {  	s2 =	sld [smem:$0x3F9B];
	s0 =	simm.s32 @p1 $0x1  }
0x15: {  	[smem:$0x3FB8] =	sst s0;
	s0 =	simm.s32 @!p2 $0x0  }
0x16: {  	s3 =	sld [smem:$0x3FDB];
	s0 =	simm.s32 @p2 $0x1  }
0x17: {  	s4 =	simm.s32 $0x1BF5;
	[smem:$0x3FBA] =	sst s0  }
0x18: {  	s0 =	sld [smem:$0x3F9D];
	_ =	swait.ge [sflag:s4], $0x0  }
0x19: {  	s7 =	sld [smem:$0x3F9E]  }
0x1a: {  	s8 =	sadd.s32 $0xFFFFE003, lr  }
0x1b: {  	s9 =	sadd.s32 $0xFFFFFEF7, lr;
	s5 =	simm.s32 $0xFFFFFFFF;
	p2 =	slt.u32 s8, $0xFFFFF086  }
0x1c: {  	p1 =	slt.u32 s9, $0xF7A;
	s5 =	simm.s32 @!p2 $0x0  }
0x1d: {  	s5 =	simm.s32 @p1 $0x1;
	p0 =	seq.s32 s7, s2  }
0x1e: {  	s7 =	smul.u32 @!p0 $0xF7A, s2;
	p2 =	seq.s32 @!p0 s5, $0x0  }
0x1f: {  	s9 =	smul.u32 $0xF7A, s1;
	s8 =	simm.s32 @!p0 $0x1BF5;
	p2 =	por !p2, p0  }
0x20: {  	[sflag:s8] =	ssyncset.s32 @!p0 $0xFFFFF086;
	s6 =	sadd.s32 @!p0 s3, s7;
	s7 =	simm.s32 @!p0 $0x108  }
0x21: {  	s3 =	sadd.s32 s3, s9;
	s6 =	sadd.s32 @!p0 $0x88, s6;
	s7 =	simm.s32 @p2 $0x1082  }
0x22: {  	[simem:s7], [sflag:s8] =	dma.local @!p0 [hbm:s6], $0xF7A  }
0x23: {  	s9 =	sor.u32 $0xD0000000, s2;
	s6 =	simm.s32 $0x108;
	_ =	swait.ge @!p0 [sflag:s8], $0x0  }
0x24: {  	s3 =	sadd.s32 $0x88, s3;
	s6 =	simm.s32 @!p1 $0x1082;
	[sflag:s4] =	ssyncset.s32 $0xFFFFF086  }
0x25: {  	[simem:s6], [sflag:s4] =	dma.local [hbm:s3], $0xF7A  }
0x26: {  	[smem:$0x3F9E] =	sst s1;
	(tag) =	ssettag s2;
	_ =	strace s9  }
0x27: {  	s1 =	sld [smem:$0x3FAE]  }
0x28: {  	s2 =	sld [smem:$0x3FAF]  }
0x29: {  	s4 =	sld [smem:$0x3FB1]  }
0x2a: {  	p0 =	seq.s32 s5, $0x0;
	s5 =	sld [smem:$0x3FB2]  }
0x2b: {  	s6 =	sld [smem:$0x3FB3]  }
0x2c: {  	s7 =	sld [smem:$0x3FB4]  }
0x2d: {  	s3 =	simm.s32 $0x108;
	s8 =	sld [smem:$0x3FB5]  }
0x2e: {  	s3 =	simm.s32 @!p0 $0x1082;
	s9 =	sld [smem:$0x3FB6]  }
0x2f: {  	lr =	sadd.s32 s0, s3;
	s0 =	sld [smem:$0x3FAD]  }
0x30: {  	s3 =	sld [smem:$0x3FB0]  }
0x31: {  	[smem:$0x3FB9] =	sst s10  }
0x32: {  	s10 =	sld [smem:$0x3FB7];
	_ =	sdelay $0x3  }
0x33: {  	p0 =	seq.s32 s10, $0x1;
	s10 =	sld [smem:$0x3FB9];
	_ =	sdelay $0x3  }
0x34: {  	[smem:$0x3FB9] =	sst s10  }
0x35: {  	s10 =	sld [smem:$0x3FB8];
	_ =	sdelay $0x3  }
0x36: {  	p1 =	seq.s32 s10, $0x1;
	s10 =	sld [smem:$0x3FB9];
	_ =	sdelay $0x3  }
0x37: {  	[smem:$0x3FB9] =	sst s10  }
0x38: {  	s10 =	sld [smem:$0x3FBA]  }
0x39: {  	_ = 	snop;
	(pc) =	sbr.ind lr, $3  }
0x3a: {  	_ = 	snop  }
0x3b: {  	_ = 	snop  }
0x3c: {  	p2 =	seq.s32 s10, $0x1;
	s10 =	sld [smem:$0x3FB9]  }
0x3d: {  	_ =	shalt  }
0x3e: {  	_ =	shalt  }
0x3f: {  	_ =	shalt  }
0x40: {  	_ =	shalt  }
0x41: {  	_ =	shalt  }
0x42: {  	_ =	shalt  }
0x43: {  	_ =	shalt  }
0x44: {  	_ =	shalt  }
0x45: {  	_ =	shalt  }
0x46: {  	_ =	shalt  }
0x47: {  	_ =	shalt  }
0x48: {  	_ =	shalt  }
0x49: {  	_ =	shalt  }
0x4a: {  	_ =	shalt  }
0x4b: {  	_ =	shalt  }
0x4c: {  	_ =	shalt  }
0x4d: {  	_ =	shalt  }
0x4e: {  	_ =	shalt  }
0x4f: {  	_ =	shalt  }
0x50: {  	_ =	shalt  }
0x51: {  	_ =	shalt  }
0x52: {  	_ =	shalt  }
0x53: {  	_ =	shalt  }
0x54: {  	_ =	shalt  }
0x55: {  	_ =	shalt  }
0x56: {  	_ =	shalt  }
0x57: {  	_ =	shalt  }
0x58: {  	_ =	shalt  }
0x59: {  	_ =	shalt  }
0x5a: {  	_ =	shalt  }
0x5b: {  	_ =	shalt  }
0x5c: {  	_ =	shalt  }
0x5d: {  	_ =	shalt  }
0x5e: {  	_ =	shalt  }
0x5f: {  	_ =	shalt  }
0x60: {  	_ =	shalt  }
0x61: {  	_ =	shalt  }
0x62: {  	_ =	shalt  }
0x63: {  	_ =	shalt  }
0x64: {  	_ =	shalt  }
0x65: {  	_ =	shalt  }
0x66: {  	_ =	shalt  }
0x67: {  	_ =	shalt  }
0x68: {  	_ =	shalt  }
0x69: {  	_ =	shalt  }
0x6a: {  	_ =	shalt  }
0x6b: {  	_ =	shalt  }
0x6c: {  	_ =	shalt  }
0x6d: {  	_ =	shalt  }
0x6e: {  	_ =	shalt  }
0x6f: {  	_ =	shalt  }
0x70: {  	_ =	shalt  }
0x71: {  	_ =	shalt  }
0x72: {  	_ =	shalt  }
0x73: {  	_ =	shalt  }
0x74: {  	_ =	shalt  }
0x75: {  	_ =	shalt  }
0x76: {  	_ =	shalt  }
0x77: {  	_ =	shalt  }
0x78: {  	_ =	shalt  }
0x79: {  	_ =	shalt  }
0x7a: {  	_ =	shalt  }
0x7b: {  	_ =	shalt  }
0x7c: {  	_ =	shalt  }
0x7d: {  	_ =	shalt  }
0x7e: {  	_ =	shalt  }
0x7f: {  	_ =	shalt  }
0x80: {  	_ =	shalt  }
0x81: {  	_ =	shalt  }
0x82: {  	_ =	shalt  }
0x83: {  	_ =	shalt  }
0x84: {  	_ =	shalt  }
0x85: {  	_ =	shalt  }
0x86: {  	_ =	shalt  }
0x87: {  	_ =	shalt  }
.Lfunc_end0:
.L_simem_size_0:
called_computation.1_lowered:
.L_overlay_start_0:
0x88: {  	s2 =	sld [smem:$0x3FD9]  }
0x89: {  	s3 =	sld [smem:$0x3FFE];
	_ =	sdelay $0x1  }
0x8a: {  	s1 =	srdreg.scid  }
0x8b: {  	s0 =	sand.u32 $0x1, s1  }
0x8c: {  	s17 =	sshll.u32 s0, $0xA;
	s2 =	sadd.s32 s3, s2  }
0x8d: {  	s2 =	sadd.s32 s2, s17  }
0x8e: {  	[smem:$0x3FC5] =	sst s2  }
0x8f: {  	_ = 	snop  }
0x90: {  	(tm) =	ssettm $0x1  }
0x91: {  	s18 =	sld [smem:$0x3FFB];
	_ =	sdelay $0x3  }
0x92: {  	_ =	strace s18  }
0x93: {  	s2 =	sld [smem:$0x3FFC];
	_ =	sdelay $0x3  }
0x94: {  	_ =	strace s2  }
0x95: {  	s2 =	sld [smem:$0x3FFD];
	_ =	sdelay $0x3  }
0x96: {  	_ =	strace s2  }
0x97: {  	_ =	strace $0x8FFFFFFF  }
0x98: {  	s19 =	sld [smem:$0x3FDB];
	_ =	sdelay $0x1  }
0x99: {  	s20 =	simm.s32 $_scs_section_size  }
0x9a: {  	s4 =	simm.s32 $_size__tile_overlayer_lowered;
	s5 =	simm.s32 $_tile_overlayer_lowered  }
0x9b: {  	s6 =	simm.s32 $0x1BFF;
	s21 =	sshll.u32 s5, $0x1;
	s3 =	sadd.s32 s20, s19  }
0x9c: {  	s22 =	simm.s32 $0x0;
	s4 =	sshll.u32 s4, $0x1;
	s5 =	sadd.s32 s21, s3  }
0x9d: {  	[timem:s22], [sflag:s6] =	dma.local [hbm:s5], s4  }
0x9e: {  	_ =	swait.ge [sflag:s6], s4  }
0x9f: {  	s4 =	ssub.s32 $0x0, s4;
	[sflag:s6] =	ssyncset.done $0x0  }
0xa0: {  	[sflag:s6] =	ssyncadd.s32 s4;
	_ =	sdelay $0x1  }
0xa1: {  	s23 =	simm.s32 $0x1B8B  }
0xa2: {  	_ =	swait.ge [sflag:s23], $0x1  }
0xa3: {  	[sflag:s23] =	ssyncset.done $0x0  }
0xa4: {  	[sflag:s23] =	ssyncadd.s32 $0xFFFFFFFF  }
0xa5: {  	s4 =	sld [smem:$0x0]  }
0xa6: {  	s5 =	sand.u32 $0xFFFFFFFE, s1  }
0xa7: {  	p0 =	sne.s32 s1, s5  }
0xa8: {  	s5 =	sshll.u32 @p0 s5, $0xE  }
0xa9: {  	s5 =	sadd.s32 @p0 $0x11B8D, s5;
	s6 =	sshll.u32 @p0 s4, $0x11  }
0xaa: {  	s5 =	sor.u32 @p0 s6, s5  }
0xab: {  	[sflag:s5] =	ssyncadd.remote.s32 @p0 $0x1;
	_ =	sdelay $0x1  }
0xac: {  	s5 =	simm.s32 @p0 $0x1B8D  }
0xad: {  	_ =	swait.eq @p0 [sflag:s5], $0x1  }
0xae: {  	[sflag:s5] =	ssyncadd.s32 @p0 $0xFFFFFFFF  }
0xaf: {  	s6 =	sshll.u32 @!p0 s1, $0xE  }
0xb0: {  	s6 =	sor.u32 @!p0 $0x4000, s6;
	s5 =	simm.s32 @!p0 $0x1B8D  }
0xb1: {  	s4 =	sshll.u32 @!p0 s4, $0x11;
	s6 =	sadd.s32 @!p0 $0x11B8D, s6;
	_ =	swait.eq @!p0 [sflag:s5], $0x1  }
0xb2: {  	s4 =	sor.u32 @!p0 s4, s6;
	[sflag:s5] =	ssyncadd.s32 @!p0 $0xFFFFFFFF  }
0xb3: {  	s25 =	simm.s32 $0x1B8E;
	s24 =	sld [smem:$0x3FFE];
	[sflag:s4] =	ssyncadd.remote.s32 @!p0 $0x1  }
0xb4: {  	s26 =	simm.s32 $execute0_lowered;
	[smem:$0x3FD2] =	sst s25  }
0xb5: {  	s5 =	sshll.u32 s26, $0x1;
	_ =	strace $0x80000049;
	[dreg:$0x1] =	wrdreg $0xFFFFFFFF  }
0xb6: {  	s28 =	simm.s32 $_size_execute0_lowered;
	s3 =	sadd.s32 s3, s5;
	[dreg:$0x0] =	wrdreg $0x0  }
0xb7: {  	s5 =	sshll.u32 s28, $0x1;
	[dreg:$0x2] =	wrdreg s3  }
0xb8: {  	[dreg:$0x3] =	wrdreg s5  }
0xb9: {  	[dreg:$0x4] =	wrdreg $0xC0  }
0xba: {  	_ =	task [dreg:s22], $0x5FFFF  }
0xbb: {  	[dreg:$0x1] =	wrdreg $0xFFFFFFFF  }
0xbc: {  	[dreg:$0x0] =	wrdreg $0x60  }
0xbd: {  	[dreg:$0x2] =	wrdreg s24  }
0xbe: {  	[dreg:$0x3] =	wrdreg $0xA  }
0xbf: {  	_ =	task.clear_ibuf [dreg:s22], $0x4FFFF;
	_ =	strace $0x90000049  }
0xc0: {  	s29 =	simm.s32 $0xA;
	_ =	strace $0x8000004B  }
0xc1: {  	_ =	swait.ge [sflag:s29], $0x1  }
0xc2: {  	[sflag:s29] =	ssyncadd.s32 $0xFFFFFFFF  }
0xc3: {  	_ =	strace $0x9000004B  }
0xc4: {  	_ =	sfence  }
0xc5: {  	s30 =	sld [smem:$0x0];
	_ =	sdelay $0x2  }
0xc6: {  	s31 =	sshll.u32 s1, $0xD;
	s1 =	sshrl.u32 s1, $0x2  }
0xc7: {  	s4 =	sand.u32 $0x4000, s31;
	s1 =	sadd.s32 s1, s30  }
0xc8: {  	s0 =	sor.u32 s4, s0;
	s1 =	sshll.u32 s1, $0x11  }
0xc9: {  	s0 =	sor.u32 s1, s0  }
0xca: {  	s0 =	sadd.s32 $0x8F2B, s0  }
0xcb: {  	[sflag:s0] =	ssyncadd.remote.s32 $0x1  }
0xcc: {  	_ =	sfence.sel $0xFFFF  }
0xcd: {  	[dreg:$0x0] =	wrdreg $0xFFFFFFFF;
	(pc) =	sbr.abs _section_cstart, $3  }
0xce: {  	[dreg:$0x1] =	wrdreg $0xFFFFFFFF  }
0xcf: {  	_ =	task.clear_ibuf [dreg:s22], $0x2FFFF;
	_ =	strace $0x9FFFFFFF  }
0xd0: {  	(tm) =	ssettm $0x7FFFFFFF  }
0xd1: {  	_ =	shalt  }
tec
execute0_lowered:
.L_overlay_start_1:
0x0: {  	(tag) =	ssettag $0x1  }
0x1: {  	s1 =	srdreg.scid  }
0x2: {  	s0 =	stileid.u32;
	s4 =	rddreg [dreg:$0x0];
	s2 =	simm.s32 $0x0  }
0x3: {  	s10 =	simm.s32 $0x400;
	s11 =	simm.s32 $0x28;
	s12 =	simm.s32 $0x800  }
0x4: {  	s13 =	simm.s32 $0x1C00;
	s14 =	simm.s32 $0x1;
	s15 =	simm.s32 $0x2  }
0x5: {  	s5 =	sand.u32 $0x1, s1;
	s3 =	sshll.u32 s0, $0x1;
	s7 =	smul.u32 $0x7D00, s0  }
0x6: {  	s3 =	sor.u32 s5, s3;
	s8 =	ssub.s32 $0x2, s5;
	s5 =	smul.u32 $0x3E80, s5  }
0x7: {  	s16 =	simm.s32 $0x0;
	[smem:$0x7FF] =	sst s2;
	s6 =	smul.u32 $0x3E8, s3  }
0x8: {  	s1 =	rddreg [dreg:$0x1];
	_ =	strace $0x8000004A;
	s7 =	sadd.s32 s7, s4  }
0x9: {  	s3 =	sadd.s32 $0x2600, s4;
	s9 =	sadd.s32 s5, s7;
	s6 =	sshrl.u32 s6, $0x3  }
0xa: {  	s31 =	sshrl.u32 s8, $0x1;
	s7 =	sadd.s32 $0x12D800, s9;
	s6 =	sadd.s32 s6, s4  }
0xb: {  	s8 =	ssub.s32 s8, s31;
	s4 =	sadd.s32 $0x126800, s6;
	s5 =	sadd.s32 $0x125800, s6  }
0xc: {  	s6 =	smax.u32 s8, $0x1;
	s8 =	sadd.s32 $0x1AA800, s9;
	s9 =	simm.s32 $0x3  }
.LBB2_1:
0xd: {  	[tilespmem:s2], [sflag:$0x3] =	stream.linear.gather [hbm4b:s4+s2], $0x3E8, $0x38;
	[tilespmem:$0x3000] =	vst v63  }
0xe: {  	_ =	swait.ge [sflag:s9], $0x3E8  }
0xf: {  	[sflag:s9] =	ssyncset.done $0x0  }
0x10: {  	[sflag:s9] =	ssyncadd.s32 $0xFFFFFC18  }
0x11: {  	[tilespmem:s10], [sflag:$0x3] =	stream.linear.gather [hbm4b:s5+s2], $0x3E8, $0x38;
	[tilespmem:$0x3000] =	vst v63  }
0x12: {  	_ =	swait.ge [sflag:s9], $0x3E8  }
0x13: {  	[sflag:s9] =	ssyncset.done $0x0  }
0x14: {  	s17 =	simm.s32 $0x0;
	[sflag:s9] =	ssyncadd.s32 $0xFFFFFC18  }
0x15: {  	[tilespmem:s12], [sflag:$0x1] =	stream.indirect.gather [hbm4b:s3+s11], $0x80, s17, s11, $0xb8;
	[tilespmem:$0x3000] =	vst v63  }
0x16: {  	s31 =	simm.s32 $0x400  }
0x17: {  	[tilespmem:s13], [sflag:$0x2] =	stream.indirect.gather [hbm4b:s3+s11], $0x80, s31, s11, $0xb8;
	[tilespmem:$0x3000] =	vst v63  }
0x18: {  	_ =	swait.ge [sflag:s14], $0x1400  }
0x19: {  	[sflag:s14] =	ssyncset.done $0x0  }
0x1a: {  	[sflag:s14] =	ssyncadd.s32 $0xFFFFEC00  }
0x1b: {  	_ =	swait.ge [sflag:s15], $0x1400  }
0x1c: {  	[sflag:s15] =	ssyncset.done $0x0  }
0x1d: {  	[sflag:s15] =	ssyncadd.s32 $0xFFFFEC00  }
0x1e: {  	[hbm4b:s7+s2] =	stream.linear.scatter [tilespmem:s12], [sflag:$0x3], $0x1400, $0x38;
	[tilespmem:$0x3000] =	vst v63  }
0x1f: {  	_ =	swait.ge [sflag:s9], $0x1400  }
0x20: {  	[sflag:s9] =	ssyncset.done $0x0  }
0x21: {  	[sflag:s9] =	ssyncadd.s32 $0xFFFFEC00  }
0x22: {  	[hbm4b:s8+s2] =	stream.linear.scatter [tilespmem:s13], [sflag:$0x3], $0x1400, $0x38;
	[tilespmem:$0x3000] =	vst v63  }
0x23: {  	s19 =	simm.s32 $0xA0;
	s20 =	simm.s32 $0x140;
	_ =	swait.ge [sflag:s9], $0x1400  }
0x24: {  	s18 =	sadd.s32 $0x280, s7;
	s17 =	sadd.s32 $0x280, s8;
	[sflag:s9] =	ssyncset.done $0x0  }
.LBB2_2:
0x25: {  	s21 =	sshra.s32 s19, $0x2  }
0x26: {  	[sflag:s9] =	ssyncadd.s32 $0xFFFFEC00;
	s19 =	smov.u32 s20;
	s22 =	sadd.s32 $0xA0, s20  }
0x27: {  	[tilespmem:s12], [sflag:$0x1] =	stream.indirect.gather [hbm4b:s3+s11], $0x80, s21, s11, $0xb8;
	[tilespmem:$0x3000] =	vst v63  }
0x28: {  	p0 =	sne.s32 s20, $0xF00;
	s20 =	sadd.s32 $0x400, s21  }
0x29: {  	[tilespmem:s13], [sflag:$0x2] =	stream.indirect.gather [hbm4b:s3+s11], $0x80, s20, s11, $0xb8;
	[tilespmem:$0x3000] =	vst v63  }
0x2a: {  	_ =	swait.ge [sflag:s14], $0x1400  }
0x2b: {  	[sflag:s14] =	ssyncset.done $0x0  }
0x2c: {  	[sflag:s14] =	ssyncadd.s32 $0xFFFFEC00  }
0x2d: {  	_ =	swait.ge [sflag:s15], $0x1400  }
0x2e: {  	[sflag:s15] =	ssyncset.done $0x0  }
0x2f: {  	[sflag:s15] =	ssyncadd.s32 $0xFFFFEC00  }
0x30: {  	[hbm4b:s18+s2] =	stream.linear.scatter [tilespmem:s12], [sflag:$0x3], $0x1400, $0x38;
	[tilespmem:$0x3000] =	vst v63  }
0x31: {  	_ =	swait.ge [sflag:s9], $0x1400  }
.Ltmp0:
0x32: {  	[sflag:s9] =	ssyncset.done $0x0;
	(pc) =	sbr.rel @p0 .LBB2_2-.Ltmp0, $4  }
0x33: {  	[sflag:s9] =	ssyncadd.s32 $0xFFFFEC00  }
0x34: {  	[hbm4b:s17+s2] =	stream.linear.scatter [tilespmem:s13], [sflag:$0x3], $0x1400, $0x38;
	[tilespmem:$0x3000] =	vst v63  }
0x35: {  	s20 =	smov.u32 s22;
	_ =	swait.ge [sflag:s9], $0x1400  }
0x36: {  	s18 =	sadd.s32 $0x280, s18;
	s17 =	sadd.s32 $0x280, s17;
	[sflag:s9] =	ssyncset.done $0x0  }
0x37: {  	s19 =	sshra.s32 s19, $0x2;
	[sflag:s9] =	ssyncadd.s32 $0xFFFFEC00  }
0x38: {  	[tilespmem:s12], [sflag:$0x1] =	stream.indirect.gather [hbm4b:s3+s11], $0x80, s19, s11, $0xb8;
	[tilespmem:$0x3000] =	vst v63  }
0x39: {  	s19 =	sadd.s32 $0x400, s19  }
0x3a: {  	[tilespmem:s13], [sflag:$0x2] =	stream.indirect.gather [hbm4b:s3+s11], $0x80, s19, s11, $0xb8;
	[tilespmem:$0x3000] =	vst v63  }
0x3b: {  	_ =	swait.ge [sflag:s14], $0x1400  }
0x3c: {  	[sflag:s14] =	ssyncset.done $0x0  }
0x3d: {  	[sflag:s14] =	ssyncadd.s32 $0xFFFFEC00  }
0x3e: {  	_ =	swait.ge [sflag:s15], $0x1400  }
0x3f: {  	[sflag:s15] =	ssyncset.done $0x0  }
0x40: {  	[sflag:s15] =	ssyncadd.s32 $0xFFFFEC00  }
0x41: {  	[hbm4b:s18+s2] =	stream.linear.scatter [tilespmem:s12], [sflag:$0x3], $0x1400, $0x38;
	[tilespmem:$0x3000] =	vst v63  }
0x42: {  	s16 =	sadd.s32 $0x1, s16;
	_ =	swait.ge [sflag:s9], $0x1400  }
0x43: {  	p0 =	sne.s32 s16, s6;
	[sflag:s9] =	ssyncset.done $0x0  }
.Ltmp1:
0x44: {  	[sflag:s9] =	ssyncadd.s32 $0xFFFFEC00;
	(pc) =	sbr.rel @p0 .LBB2_1-.Ltmp1, $4  }
0x45: {  	[hbm4b:s17+s2] =	stream.linear.scatter [tilespmem:s13], [sflag:$0x3], $0x1400, $0x38;
	[tilespmem:$0x3000] =	vst v63  }
0x46: {  	_ =	swait.ge [sflag:s9], $0x1400  }
0x47: {  	[sflag:s9] =	ssyncset.done $0x0  }
0x48: {  	[sflag:s9] =	ssyncadd.s32 $0xFFFFEC00  }
0x49: {  	_ =	sfence.sel $0x180000  }
0x4a: {  	[bflag:$0x0] =	sbarrier.arrive $0xFFFF  }
0x4b: {  	p0 =	sne.s32 s0, $0x0;
	_ =	strace $0x9000004A  }
0x4c: {  	s0 =	sadd.s32 @!p0 $0x100000, s1;
	[bflag:$0x2] =	sbarrier.arrive $0xFFFF  }
0x4d: {  	[sflag:s0] =	ssyncadd.tile.s32 @!p0 $0x1;
	_ =	shalt  }
.Lfunc_end2:
_tile_overlayer_lowered:
.L_overlay_start_2:
0x4e: {  	(tag) =	ssettag $0x2  }
0x4f: {  	s0 =	rddreg [dreg:$0x0];
	s2 =	stileid.u32  }
0x50: {  	s1 =	rddreg [dreg:$0x1];
	p0 =	sne.s32 s2, $0x0  }
0x51: {  	s3 =	rddreg [dreg:$0x2];
	[bflag:$0x3] =	sbarrier.arrive $0xFFFF;
	s2 =	simm.s32 @!p0 $0x1C03  }
0x52: {  	[timem:s3], [sflag:s2] =	dma.local @!p0 [hbm:s0], s1  }
0x53: {  	s0 =	simm.s32 @!p0 $0x3  }
0x54: {  	_ =	swait.ge @!p0 [sflag:s0], s1  }
0x55: {  	s1 =	ssub.s32 @!p0 $0x0, s1;
	[sflag:s0] =	ssyncset.done @!p0 $0x0  }
0x56: {  	[sflag:s0] =	ssyncadd.s32 @!p0 s1  }
0x57: {  	[bflag:$0x3] =	sbarrier.arrive $0xFFFF  }
0x58: {  	_ =	shalt  }

// kernel: kernel.18.cloned.1.call-start
scs
__scs_entry_jumppad:
0x0: {  	(pc) =	sbr.rel $0x88, $3  }
0x1: {  	(tag) =	ssettag $0x0;
	lr =	simm.s32 $0x1  }
0x2: {  	[smem:$0x3F9E] =	sst lr;
	_ =	strace $0xD0000000  }
0x3: {  	_ = 	snop  }
0x4: {  	_ = 	snop  }
0x5: {  	_ = 	snop  }
0x6: {  	_ = 	snop  }
0x7: {  	_ = 	snop  }
__scs_overlays_trampoline_lowered:
0x8: {  	[smem:$0x3FAD] =	sst s0  }
0x9: {  	[smem:$0x3FAE] =	sst s1  }
0xa: {  	[smem:$0x3FAF] =	sst s2  }
0xb: {  	[smem:$0x3FB0] =	sst s3  }
0xc: {  	[smem:$0x3FB1] =	sst s4  }
0xd: {  	[smem:$0x3FB2] =	sst s5  }
0xe: {  	[smem:$0x3FB3] =	sst s6  }
0xf: {  	[smem:$0x3FB4] =	sst s7  }
0x10: {  	[smem:$0x3FB5] =	sst s8  }
0x11: {  	[smem:$0x3FB6] =	sst s9;
	s0 =	simm.s32 @!p0 $0x0  }
0x12: {  	s1 =	sld [smem:$0x3F9C];
	s0 =	simm.s32 @p0 $0x1  }
0x13: {  	[smem:$0x3FB7] =	sst s0;
	s0 =	simm.s32 @!p1 $0x0  }
0x14: {  	s2 =	sld [smem:$0x3F9B];
	s0 =	simm.s32 @p1 $0x1  }
0x15: {  	[smem:$0x3FB8] =	sst s0;
	s0 =	simm.s32 @!p2 $0x0  }
0x16: {  	s3 =	sld [smem:$0x3FDB];
	s0 =	simm.s32 @p2 $0x1  }
0x17: {  	s4 =	simm.s32 $0x1BF5;
	[smem:$0x3FBA] =	sst s0  }
0x18: {  	s0 =	sld [smem:$0x3F9D];
	_ =	swait.ge [sflag:s4], $0x0  }
0x19: {  	s7 =	sld [smem:$0x3F9E]  }
0x1a: {  	s8 =	sadd.s32 $0xFFFFE003, lr  }
0x1b: {  	s9 =	sadd.s32 $0xFFFFFEF7, lr;
	s5 =	simm.s32 $0xFFFFFFFF;
	p2 =	slt.u32 s8, $0xFFFFF086  }
0x1c: {  	p1 =	slt.u32 s9, $0xF7A;
	s5 =	simm.s32 @!p2 $0x0  }
0x1d: {  	s5 =	simm.s32 @p1 $0x1;
	p0 =	seq.s32 s7, s2  }
0x1e: {  	s7 =	smul.u32 @!p0 $0xF7A, s2;
	p2 =	seq.s32 @!p0 s5, $0x0  }
0x1f: {  	s9 =	smul.u32 $0xF7A, s1;
	s8 =	simm.s32 @!p0 $0x1BF5;
	p2 =	por !p2, p0  }
0x20: {  	[sflag:s8] =	ssyncset.s32 @!p0 $0xFFFFF086;
	s6 =	sadd.s32 @!p0 s3, s7;
	s7 =	simm.s32 @!p0 $0x108  }
0x21: {  	s3 =	sadd.s32 s3, s9;
	s6 =	sadd.s32 @!p0 $0x88, s6;
	s7 =	simm.s32 @p2 $0x1082  }
0x22: {  	[simem:s7], [sflag:s8] =	dma.local @!p0 [hbm:s6], $0xF7A  }
0x23: {  	s9 =	sor.u32 $0xD0000000, s2;
	s6 =	simm.s32 $0x108;
	_ =	swait.ge @!p0 [sflag:s8], $0x0  }
0x24: {  	s3 =	sadd.s32 $0x88, s3;
	s6 =	simm.s32 @!p1 $0x1082;
	[sflag:s4] =	ssyncset.s32 $0xFFFFF086  }
0x25: {  	[simem:s6], [sflag:s4] =	dma.local [hbm:s3], $0xF7A  }
0x26: {  	[smem:$0x3F9E] =	sst s1;
	(tag) =	ssettag s2;
	_ =	strace s9  }
0x27: {  	s1 =	sld [smem:$0x3FAE]  }
0x28: {  	s2 =	sld [smem:$0x3FAF]  }
0x29: {  	s4 =	sld [smem:$0x3FB1]  }
0x2a: {  	p0 =	seq.s32 s5, $0x0;
	s5 =	sld [smem:$0x3FB2]  }
0x2b: {  	s6 =	sld [smem:$0x3FB3]  }
0x2c: {  	s7 =	sld [smem:$0x3FB4]  }
0x2d: {  	s3 =	simm.s32 $0x108;
	s8 =	sld [smem:$0x3FB5]  }
0x2e: {  	s3 =	simm.s32 @!p0 $0x1082;
	s9 =	sld [smem:$0x3FB6]  }
0x2f: {  	lr =	sadd.s32 s0, s3;
	s0 =	sld [smem:$0x3FAD]  }
0x30: {  	s3 =	sld [smem:$0x3FB0]  }
0x31: {  	[smem:$0x3FB9] =	sst s10  }
0x32: {  	s10 =	sld [smem:$0x3FB7];
	_ =	sdelay $0x3  }
0x33: {  	p0 =	seq.s32 s10, $0x1;
	s10 =	sld [smem:$0x3FB9];
	_ =	sdelay $0x3  }
0x34: {  	[smem:$0x3FB9] =	sst s10  }
0x35: {  	s10 =	sld [smem:$0x3FB8];
	_ =	sdelay $0x3  }
0x36: {  	p1 =	seq.s32 s10, $0x1;
	s10 =	sld [smem:$0x3FB9];
	_ =	sdelay $0x3  }
0x37: {  	[smem:$0x3FB9] =	sst s10  }
0x38: {  	s10 =	sld [smem:$0x3FBA]  }
0x39: {  	_ = 	snop;
	(pc) =	sbr.ind lr, $3  }
0x3a: {  	_ = 	snop  }
0x3b: {  	_ = 	snop  }
0x3c: {  	p2 =	seq.s32 s10, $0x1;
	s10 =	sld [smem:$0x3FB9]  }
0x3d: {  	_ =	shalt  }
0x3e: {  	_ =	shalt  }
0x3f: {  	_ =	shalt  }
0x40: {  	_ =	shalt  }
0x41: {  	_ =	shalt  }
0x42: {  	_ =	shalt  }
0x43: {  	_ =	shalt  }
0x44: {  	_ =	shalt  }
0x45: {  	_ =	shalt  }
0x46: {  	_ =	shalt  }
0x47: {  	_ =	shalt  }
0x48: {  	_ =	shalt  }
0x49: {  	_ =	shalt  }
0x4a: {  	_ =	shalt  }
0x4b: {  	_ =	shalt  }
0x4c: {  	_ =	shalt  }
0x4d: {  	_ =	shalt  }
0x4e: {  	_ =	shalt  }
0x4f: {  	_ =	shalt  }
0x50: {  	_ =	shalt  }
0x51: {  	_ =	shalt  }
0x52: {  	_ =	shalt  }
0x53: {  	_ =	shalt  }
0x54: {  	_ =	shalt  }
0x55: {  	_ =	shalt  }
0x56: {  	_ =	shalt  }
0x57: {  	_ =	shalt  }
0x58: {  	_ =	shalt  }
0x59: {  	_ =	shalt  }
0x5a: {  	_ =	shalt  }
0x5b: {  	_ =	shalt  }
0x5c: {  	_ =	shalt  }
0x5d: {  	_ =	shalt  }
0x5e: {  	_ =	shalt  }
0x5f: {  	_ =	shalt  }
0x60: {  	_ =	shalt  }
0x61: {  	_ =	shalt  }
0x62: {  	_ =	shalt  }
0x63: {  	_ =	shalt  }
0x64: {  	_ =	shalt  }
0x65: {  	_ =	shalt  }
0x66: {  	_ =	shalt  }
0x67: {  	_ =	shalt  }
0x68: {  	_ =	shalt  }
0x69: {  	_ =	shalt  }
0x6a: {  	_ =	shalt  }
0x6b: {  	_ =	shalt  }
0x6c: {  	_ =	shalt  }
0x6d: {  	_ =	shalt  }
0x6e: {  	_ =	shalt  }
0x6f: {  	_ =	shalt  }
0x70: {  	_ =	shalt  }
0x71: {  	_ =	shalt  }
0x72: {  	_ =	shalt  }
0x73: {  	_ =	shalt  }
0x74: {  	_ =	shalt  }
0x75: {  	_ =	shalt  }
0x76: {  	_ =	shalt  }
0x77: {  	_ =	shalt  }
0x78: {  	_ =	shalt  }
0x79: {  	_ =	shalt  }
0x7a: {  	_ =	shalt  }
0x7b: {  	_ =	shalt  }
0x7c: {  	_ =	shalt  }
0x7d: {  	_ =	shalt  }
0x7e: {  	_ =	shalt  }
0x7f: {  	_ =	shalt  }
0x80: {  	_ =	shalt  }
0x81: {  	_ =	shalt  }
0x82: {  	_ =	shalt  }
0x83: {  	_ =	shalt  }
0x84: {  	_ =	shalt  }
0x85: {  	_ =	shalt  }
0x86: {  	_ =	shalt  }
0x87: {  	_ =	shalt  }
.Lfunc_end0:
.L_simem_size_0:
called_computation.2_lowered:
.L_overlay_start_0:
0x88: {  	s2 =	sld [smem:$0x3FD9]  }
0x89: {  	s3 =	sld [smem:$0x3FFE];
	_ =	sdelay $0x1  }
0x8a: {  	s1 =	srdreg.scid  }
0x8b: {  	s0 =	sand.u32 $0x1, s1  }
0x8c: {  	s17 =	sshll.u32 s0, $0xA;
	s2 =	sadd.s32 s3, s2  }
0x8d: {  	s2 =	sadd.s32 s2, s17  }
0x8e: {  	[smem:$0x3FC5] =	sst s2  }
0x8f: {  	_ = 	snop  }
0x90: {  	(tm) =	ssettm $0x1  }
0x91: {  	s18 =	sld [smem:$0x3FFB];
	_ =	sdelay $0x3  }
0x92: {  	_ =	strace s18  }
0x93: {  	s2 =	sld [smem:$0x3FFC];
	_ =	sdelay $0x3  }
0x94: {  	_ =	strace s2  }
0x95: {  	s2 =	sld [smem:$0x3FFD];
	_ =	sdelay $0x3  }
0x96: {  	_ =	strace s2  }
0x97: {  	_ =	strace $0x8FFFFFFF  }
0x98: {  	s19 =	sld [smem:$0x3FDB];
	_ =	sdelay $0x1  }
0x99: {  	s20 =	simm.s32 $_scs_section_size  }
0x9a: {  	s4 =	simm.s32 $_size__tile_overlayer_lowered;
	s5 =	simm.s32 $_tile_overlayer_lowered  }
0x9b: {  	s6 =	simm.s32 $0x1BFF;
	s21 =	sshll.u32 s5, $0x1;
	s3 =	sadd.s32 s20, s19  }
0x9c: {  	s22 =	simm.s32 $0x0;
	s4 =	sshll.u32 s4, $0x1;
	s5 =	sadd.s32 s21, s3  }
0x9d: {  	[timem:s22], [sflag:s6] =	dma.local [hbm:s5], s4  }
0x9e: {  	_ =	swait.ge [sflag:s6], s4  }
0x9f: {  	s4 =	ssub.s32 $0x0, s4;
	[sflag:s6] =	ssyncset.done $0x0  }
0xa0: {  	[sflag:s6] =	ssyncadd.s32 s4;
	_ =	sdelay $0x1  }
0xa1: {  	s23 =	simm.s32 $0x1B8B  }
0xa2: {  	_ =	swait.ge [sflag:s23], $0x1  }
0xa3: {  	[sflag:s23] =	ssyncset.done $0x0  }
0xa4: {  	[sflag:s23] =	ssyncadd.s32 $0xFFFFFFFF  }
0xa5: {  	s4 =	sld [smem:$0x0]  }
0xa6: {  	s5 =	sand.u32 $0xFFFFFFFE, s1  }
0xa7: {  	p0 =	sne.s32 s1, s5  }
0xa8: {  	s5 =	sshll.u32 @p0 s5, $0xE  }
0xa9: {  	s5 =	sadd.s32 @p0 $0x11B8D, s5;
	s6 =	sshll.u32 @p0 s4, $0x11  }
0xaa: {  	s5 =	sor.u32 @p0 s6, s5  }
0xab: {  	[sflag:s5] =	ssyncadd.remote.s32 @p0 $0x1;
	_ =	sdelay $0x1  }
0xac: {  	s5 =	simm.s32 @p0 $0x1B8D  }
0xad: {  	_ =	swait.eq @p0 [sflag:s5], $0x1  }
0xae: {  	[sflag:s5] =	ssyncadd.s32 @p0 $0xFFFFFFFF  }
0xaf: {  	s6 =	sshll.u32 @!p0 s1, $0xE  }
0xb0: {  	s6 =	sor.u32 @!p0 $0x4000, s6;
	s5 =	simm.s32 @!p0 $0x1B8D  }
0xb1: {  	s4 =	sshll.u32 @!p0 s4, $0x11;
	s6 =	sadd.s32 @!p0 $0x11B8D, s6;
	_ =	swait.eq @!p0 [sflag:s5], $0x1  }
0xb2: {  	s4 =	sor.u32 @!p0 s4, s6;
	[sflag:s5] =	ssyncadd.s32 @!p0 $0xFFFFFFFF  }
0xb3: {  	s25 =	simm.s32 $0x1B8E;
	s24 =	sld [smem:$0x3FFE];
	[sflag:s4] =	ssyncadd.remote.s32 @!p0 $0x1  }
0xb4: {  	s26 =	simm.s32 $execute0_lowered;
	[smem:$0x3FD2] =	sst s25  }
0xb5: {  	s5 =	sshll.u32 s26, $0x1;
	_ =	strace $0x8000004C;
	[dreg:$0x1] =	wrdreg $0xFFFFFFFF  }
0xb6: {  	s28 =	simm.s32 $_size_execute0_lowered;
	s3 =	sadd.s32 s3, s5;
	[dreg:$0x0] =	wrdreg $0x0  }
0xb7: {  	s5 =	sshll.u32 s28, $0x1;
	[dreg:$0x2] =	wrdreg s3  }
0xb8: {  	[dreg:$0x3] =	wrdreg s5  }
0xb9: {  	[dreg:$0x4] =	wrdreg $0xC0  }
0xba: {  	_ =	task [dreg:s22], $0x5FFFF  }
0xbb: {  	[dreg:$0x1] =	wrdreg $0xFFFFFFFF  }
0xbc: {  	[dreg:$0x0] =	wrdreg $0x60  }
0xbd: {  	[dreg:$0x2] =	wrdreg s24  }
0xbe: {  	[dreg:$0x3] =	wrdreg $0xB  }
0xbf: {  	_ =	task.clear_ibuf [dreg:s22], $0x4FFFF;
	_ =	strace $0x9000004C  }
0xc0: {  	s29 =	simm.s32 $0xB;
	_ =	strace $0x8000004E  }
0xc1: {  	_ =	swait.ge [sflag:s29], $0x1  }
0xc2: {  	[sflag:s29] =	ssyncadd.s32 $0xFFFFFFFF  }
0xc3: {  	_ =	strace $0x9000004E  }
0xc4: {  	_ =	sfence  }
0xc5: {  	s30 =	sld [smem:$0x0];
	_ =	sdelay $0x2  }
0xc6: {  	s31 =	sshll.u32 s1, $0xD;
	s1 =	sshrl.u32 s1, $0x2  }
0xc7: {  	s4 =	sand.u32 $0x4000, s31;
	s1 =	sadd.s32 s1, s30  }
0xc8: {  	s0 =	sor.u32 s4, s0;
	s1 =	sshll.u32 s1, $0x11  }
0xc9: {  	s0 =	sor.u32 s1, s0  }
0xca: {  	s0 =	sadd.s32 $0x8F2B, s0  }
0xcb: {  	[sflag:s0] =	ssyncadd.remote.s32 $0x1  }
0xcc: {  	_ =	sfence.sel $0xFFFF  }
0xcd: {  	[dreg:$0x0] =	wrdreg $0xFFFFFFFF;
	(pc) =	sbr.abs _section_cstart, $3  }
0xce: {  	[dreg:$0x1] =	wrdreg $0xFFFFFFFF  }
0xcf: {  	_ =	task.clear_ibuf [dreg:s22], $0x2FFFF;
	_ =	strace $0x9FFFFFFF  }
0xd0: {  	(tm) =	ssettm $0x7FFFFFFF  }
0xd1: {  	_ =	shalt  }
tec
execute0_lowered:
.L_overlay_start_1:
0x0: {  	(tag) =	ssettag $0x1  }
0x1: {  	s1 =	srdreg.scid  }
0x2: {  	s0 =	stileid.u32;
	s4 =	rddreg [dreg:$0x0];
	s2 =	simm.s32 $0x0  }
0x3: {  	s10 =	simm.s32 $0x400;
	s11 =	simm.s32 $0x28;
	s12 =	simm.s32 $0x800  }
0x4: {  	s13 =	simm.s32 $0x1C00;
	s14 =	simm.s32 $0x1;
	s15 =	simm.s32 $0x2  }
0x5: {  	s5 =	sand.u32 $0x1, s1;
	s3 =	sshll.u32 s0, $0x1;
	s7 =	smul.u32 $0x7D00, s0  }
0x6: {  	s3 =	sor.u32 s5, s3;
	s8 =	ssub.s32 $0x2, s5;
	s5 =	smul.u32 $0x3E80, s5  }
0x7: {  	s16 =	simm.s32 $0x0;
	[smem:$0x7FF] =	sst s2;
	s6 =	smul.u32 $0x3E8, s3  }
0x8: {  	s1 =	rddreg [dreg:$0x1];
	_ =	strace $0x8000004D;
	s7 =	sadd.s32 s7, s4  }
0x9: {  	s3 =	sadd.s32 $0x2600, s4;
	s9 =	sadd.s32 s5, s7;
	s6 =	sshrl.u32 s6, $0x3  }
0xa: {  	s31 =	sshrl.u32 s8, $0x1;
	s7 =	sadd.s32 $0x227800, s9;
	s6 =	sadd.s32 s6, s4  }
0xb: {  	s8 =	ssub.s32 s8, s31;
	s4 =	sadd.s32 $0x128800, s6;
	s5 =	sadd.s32 $0x127800, s6  }
0xc: {  	s6 =	smax.u32 s8, $0x1;
	s8 =	sadd.s32 $0x2A4800, s9;
	s9 =	simm.s32 $0x3  }
.LBB2_1:
0xd: {  	[tilespmem:s2], [sflag:$0x3] =	stream.linear.gather [hbm4b:s4+s2], $0x3E8, $0x38;
	[tilespmem:$0x3000] =	vst v63  }
0xe: {  	_ =	swait.ge [sflag:s9], $0x3E8  }
0xf: {  	[sflag:s9] =	ssyncset.done $0x0  }
0x10: {  	[sflag:s9] =	ssyncadd.s32 $0xFFFFFC18  }
0x11: {  	[tilespmem:s10], [sflag:$0x3] =	stream.linear.gather [hbm4b:s5+s2], $0x3E8, $0x38;
	[tilespmem:$0x3000] =	vst v63  }
0x12: {  	_ =	swait.ge [sflag:s9], $0x3E8  }
0x13: {  	[sflag:s9] =	ssyncset.done $0x0  }
0x14: {  	s17 =	simm.s32 $0x0;
	[sflag:s9] =	ssyncadd.s32 $0xFFFFFC18  }
0x15: {  	[tilespmem:s12], [sflag:$0x1] =	stream.indirect.gather [hbm4b:s3+s11], $0x80, s17, s11, $0xb8;
	[tilespmem:$0x3000] =	vst v63  }
0x16: {  	s31 =	simm.s32 $0x400  }
0x17: {  	[tilespmem:s13], [sflag:$0x2] =	stream.indirect.gather [hbm4b:s3+s11], $0x80, s31, s11, $0xb8;
	[tilespmem:$0x3000] =	vst v63  }
0x18: {  	_ =	swait.ge [sflag:s14], $0x1400  }
0x19: {  	[sflag:s14] =	ssyncset.done $0x0  }
0x1a: {  	[sflag:s14] =	ssyncadd.s32 $0xFFFFEC00  }
0x1b: {  	_ =	swait.ge [sflag:s15], $0x1400  }
0x1c: {  	[sflag:s15] =	ssyncset.done $0x0  }
0x1d: {  	[sflag:s15] =	ssyncadd.s32 $0xFFFFEC00  }
0x1e: {  	[hbm4b:s7+s2] =	stream.linear.scatter [tilespmem:s12], [sflag:$0x3], $0x1400, $0x38;
	[tilespmem:$0x3000] =	vst v63  }
0x1f: {  	_ =	swait.ge [sflag:s9], $0x1400  }
0x20: {  	[sflag:s9] =	ssyncset.done $0x0  }
0x21: {  	[sflag:s9] =	ssyncadd.s32 $0xFFFFEC00  }
0x22: {  	[hbm4b:s8+s2] =	stream.linear.scatter [tilespmem:s13], [sflag:$0x3], $0x1400, $0x38;
	[tilespmem:$0x3000] =	vst v63  }
0x23: {  	s19 =	simm.s32 $0xA0;
	s20 =	simm.s32 $0x140;
	_ =	swait.ge [sflag:s9], $0x1400  }
0x24: {  	s18 =	sadd.s32 $0x280, s7;
	s17 =	sadd.s32 $0x280, s8;
	[sflag:s9] =	ssyncset.done $0x0  }
.LBB2_2:
0x25: {  	s21 =	sshra.s32 s19, $0x2  }
0x26: {  	[sflag:s9] =	ssyncadd.s32 $0xFFFFEC00;
	s19 =	smov.u32 s20;
	s22 =	sadd.s32 $0xA0, s20  }
0x27: {  	[tilespmem:s12], [sflag:$0x1] =	stream.indirect.gather [hbm4b:s3+s11], $0x80, s21, s11, $0xb8;
	[tilespmem:$0x3000] =	vst v63  }
0x28: {  	p0 =	sne.s32 s20, $0xF00;
	s20 =	sadd.s32 $0x400, s21  }
0x29: {  	[tilespmem:s13], [sflag:$0x2] =	stream.indirect.gather [hbm4b:s3+s11], $0x80, s20, s11, $0xb8;
	[tilespmem:$0x3000] =	vst v63  }
0x2a: {  	_ =	swait.ge [sflag:s14], $0x1400  }
0x2b: {  	[sflag:s14] =	ssyncset.done $0x0  }
0x2c: {  	[sflag:s14] =	ssyncadd.s32 $0xFFFFEC00  }
0x2d: {  	_ =	swait.ge [sflag:s15], $0x1400  }
0x2e: {  	[sflag:s15] =	ssyncset.done $0x0  }
0x2f: {  	[sflag:s15] =	ssyncadd.s32 $0xFFFFEC00  }
0x30: {  	[hbm4b:s18+s2] =	stream.linear.scatter [tilespmem:s12], [sflag:$0x3], $0x1400, $0x38;
	[tilespmem:$0x3000] =	vst v63  }
0x31: {  	_ =	swait.ge [sflag:s9], $0x1400  }
.Ltmp0:
0x32: {  	[sflag:s9] =	ssyncset.done $0x0;
	(pc) =	sbr.rel @p0 .LBB2_2-.Ltmp0, $4  }
0x33: {  	[sflag:s9] =	ssyncadd.s32 $0xFFFFEC00  }
0x34: {  	[hbm4b:s17+s2] =	stream.linear.scatter [tilespmem:s13], [sflag:$0x3], $0x1400, $0x38;
	[tilespmem:$0x3000] =	vst v63  }
0x35: {  	s20 =	smov.u32 s22;
	_ =	swait.ge [sflag:s9], $0x1400  }
0x36: {  	s18 =	sadd.s32 $0x280, s18;
	s17 =	sadd.s32 $0x280, s17;
	[sflag:s9] =	ssyncset.done $0x0  }
0x37: {  	s19 =	sshra.s32 s19, $0x2;
	[sflag:s9] =	ssyncadd.s32 $0xFFFFEC00  }
0x38: {  	[tilespmem:s12], [sflag:$0x1] =	stream.indirect.gather [hbm4b:s3+s11], $0x80, s19, s11, $0xb8;
	[tilespmem:$0x3000] =	vst v63  }
0x39: {  	s19 =	sadd.s32 $0x400, s19  }
0x3a: {  	[tilespmem:s13], [sflag:$0x2] =	stream.indirect.gather [hbm4b:s3+s11], $0x80, s19, s11, $0xb8;
	[tilespmem:$0x3000] =	vst v63  }
0x3b: {  	_ =	swait.ge [sflag:s14], $0x1400  }
0x3c: {  	[sflag:s14] =	ssyncset.done $0x0  }
0x3d: {  	[sflag:s14] =	ssyncadd.s32 $0xFFFFEC00  }
0x3e: {  	_ =	swait.ge [sflag:s15], $0x1400  }
0x3f: {  	[sflag:s15] =	ssyncset.done $0x0  }
0x40: {  	[sflag:s15] =	ssyncadd.s32 $0xFFFFEC00  }
0x41: {  	[hbm4b:s18+s2] =	stream.linear.scatter [tilespmem:s12], [sflag:$0x3], $0x1400, $0x38;
	[tilespmem:$0x3000] =	vst v63  }
0x42: {  	s16 =	sadd.s32 $0x1, s16;
	_ =	swait.ge [sflag:s9], $0x1400  }
0x43: {  	p0 =	sne.s32 s16, s6;
	[sflag:s9] =	ssyncset.done $0x0  }
.Ltmp1:
0x44: {  	[sflag:s9] =	ssyncadd.s32 $0xFFFFEC00;
	(pc) =	sbr.rel @p0 .LBB2_1-.Ltmp1, $4  }
0x45: {  	[hbm4b:s17+s2] =	stream.linear.scatter [tilespmem:s13], [sflag:$0x3], $0x1400, $0x38;
	[tilespmem:$0x3000] =	vst v63  }
0x46: {  	_ =	swait.ge [sflag:s9], $0x1400  }
0x47: {  	[sflag:s9] =	ssyncset.done $0x0  }
0x48: {  	[sflag:s9] =	ssyncadd.s32 $0xFFFFEC00  }
0x49: {  	_ =	sfence.sel $0x180000  }
0x4a: {  	[bflag:$0x0] =	sbarrier.arrive $0xFFFF  }
0x4b: {  	p0 =	sne.s32 s0, $0x0;
	_ =	strace $0x9000004D  }
0x4c: {  	s0 =	sadd.s32 @!p0 $0x100000, s1;
	[bflag:$0x2] =	sbarrier.arrive $0xFFFF  }
0x4d: {  	[sflag:s0] =	ssyncadd.tile.s32 @!p0 $0x1;
	_ =	shalt  }
.Lfunc_end2:
_tile_overlayer_lowered:
.L_overlay_start_2:
0x4e: {  	(tag) =	ssettag $0x2  }
0x4f: {  	s0 =	rddreg [dreg:$0x0];
	s2 =	stileid.u32  }
0x50: {  	s1 =	rddreg [dreg:$0x1];
	p0 =	sne.s32 s2, $0x0  }
0x51: {  	s3 =	rddreg [dreg:$0x2];
	[bflag:$0x3] =	sbarrier.arrive $0xFFFF;
	s2 =	simm.s32 @!p0 $0x1C03  }
0x52: {  	[timem:s3], [sflag:s2] =	dma.local @!p0 [hbm:s0], s1  }
0x53: {  	s0 =	simm.s32 @!p0 $0x3  }
0x54: {  	_ =	swait.ge @!p0 [sflag:s0], s1  }
0x55: {  	s1 =	ssub.s32 @!p0 $0x0, s1;
	[sflag:s0] =	ssyncset.done @!p0 $0x0  }
0x56: {  	[sflag:s0] =	ssyncadd.s32 @!p0 s1  }
0x57: {  	[bflag:$0x3] =	sbarrier.arrive $0xFFFF  }
0x58: {  	_ =	shalt  }

// kernel: kernel.21.cloned.1.call-start
scs
__scs_entry_jumppad:
0x0: {  	(pc) =	sbr.rel $0x88, $3  }
0x1: {  	(tag) =	ssettag $0x0;
	lr =	simm.s32 $0x1  }
0x2: {  	[smem:$0x3F9E] =	sst lr;
	_ =	strace $0xD0000000  }
0x3: {  	_ = 	snop  }
0x4: {  	_ = 	snop  }
0x5: {  	_ = 	snop  }
0x6: {  	_ = 	snop  }
0x7: {  	_ = 	snop  }
__scs_overlays_trampoline_lowered:
0x8: {  	[smem:$0x3FAD] =	sst s0  }
0x9: {  	[smem:$0x3FAE] =	sst s1  }
0xa: {  	[smem:$0x3FAF] =	sst s2  }
0xb: {  	[smem:$0x3FB0] =	sst s3  }
0xc: {  	[smem:$0x3FB1] =	sst s4  }
0xd: {  	[smem:$0x3FB2] =	sst s5  }
0xe: {  	[smem:$0x3FB3] =	sst s6  }
0xf: {  	[smem:$0x3FB4] =	sst s7  }
0x10: {  	[smem:$0x3FB5] =	sst s8  }
0x11: {  	[smem:$0x3FB6] =	sst s9;
	s0 =	simm.s32 @!p0 $0x0  }
0x12: {  	s1 =	sld [smem:$0x3F9C];
	s0 =	simm.s32 @p0 $0x1  }
0x13: {  	[smem:$0x3FB7] =	sst s0;
	s0 =	simm.s32 @!p1 $0x0  }
0x14: {  	s2 =	sld [smem:$0x3F9B];
	s0 =	simm.s32 @p1 $0x1  }
0x15: {  	[smem:$0x3FB8] =	sst s0;
	s0 =	simm.s32 @!p2 $0x0  }
0x16: {  	s3 =	sld [smem:$0x3FDB];
	s0 =	simm.s32 @p2 $0x1  }
0x17: {  	s4 =	simm.s32 $0x1BF5;
	[smem:$0x3FBA] =	sst s0  }
0x18: {  	s0 =	sld [smem:$0x3F9D];
	_ =	swait.ge [sflag:s4], $0x0  }
0x19: {  	s7 =	sld [smem:$0x3F9E]  }
0x1a: {  	s8 =	sadd.s32 $0xFFFFE003, lr  }
0x1b: {  	s9 =	sadd.s32 $0xFFFFFEF7, lr;
	s5 =	simm.s32 $0xFFFFFFFF;
	p2 =	slt.u32 s8, $0xFFFFF086  }
0x1c: {  	p1 =	slt.u32 s9, $0xF7A;
	s5 =	simm.s32 @!p2 $0x0  }
0x1d: {  	s5 =	simm.s32 @p1 $0x1;
	p0 =	seq.s32 s7, s2  }
0x1e: {  	s7 =	smul.u32 @!p0 $0xF7A, s2;
	p2 =	seq.s32 @!p0 s5, $0x0  }
0x1f: {  	s9 =	smul.u32 $0xF7A, s1;
	s8 =	simm.s32 @!p0 $0x1BF5;
	p2 =	por !p2, p0  }
0x20: {  	[sflag:s8] =	ssyncset.s32 @!p0 $0xFFFFF086;
	s6 =	sadd.s32 @!p0 s3, s7;
	s7 =	simm.s32 @!p0 $0x108  }
0x21: {  	s3 =	sadd.s32 s3, s9;
	s6 =	sadd.s32 @!p0 $0x88, s6;
	s7 =	simm.s32 @p2 $0x1082  }
0x22: {  	[simem:s7], [sflag:s8] =	dma.local @!p0 [hbm:s6], $0xF7A  }
0x23: {  	s9 =	sor.u32 $0xD0000000, s2;
	s6 =	simm.s32 $0x108;
	_ =	swait.ge @!p0 [sflag:s8], $0x0  }
0x24: {  	s3 =	sadd.s32 $0x88, s3;
	s6 =	simm.s32 @!p1 $0x1082;
	[sflag:s4] =	ssyncset.s32 $0xFFFFF086  }
0x25: {  	[simem:s6], [sflag:s4] =	dma.local [hbm:s3], $0xF7A  }
0x26: {  	[smem:$0x3F9E] =	sst s1;
	(tag) =	ssettag s2;
	_ =	strace s9  }
0x27: {  	s1 =	sld [smem:$0x3FAE]  }
0x28: {  	s2 =	sld [smem:$0x3FAF]  }
0x29: {  	s4 =	sld [smem:$0x3FB1]  }
0x2a: {  	p0 =	seq.s32 s5, $0x0;
	s5 =	sld [smem:$0x3FB2]  }
0x2b: {  	s6 =	sld [smem:$0x3FB3]  }
0x2c: {  	s7 =	sld [smem:$0x3FB4]  }
0x2d: {  	s3 =	simm.s32 $0x108;
	s8 =	sld [smem:$0x3FB5]  }
0x2e: {  	s3 =	simm.s32 @!p0 $0x1082;
	s9 =	sld [smem:$0x3FB6]  }
0x2f: {  	lr =	sadd.s32 s0, s3;
	s0 =	sld [smem:$0x3FAD]  }
0x30: {  	s3 =	sld [smem:$0x3FB0]  }
0x31: {  	[smem:$0x3FB9] =	sst s10  }
0x32: {  	s10 =	sld [smem:$0x3FB7];
	_ =	sdelay $0x3  }
0x33: {  	p0 =	seq.s32 s10, $0x1;
	s10 =	sld [smem:$0x3FB9];
	_ =	sdelay $0x3  }
0x34: {  	[smem:$0x3FB9] =	sst s10  }
0x35: {  	s10 =	sld [smem:$0x3FB8];
	_ =	sdelay $0x3  }
0x36: {  	p1 =	seq.s32 s10, $0x1;
	s10 =	sld [smem:$0x3FB9];
	_ =	sdelay $0x3  }
0x37: {  	[smem:$0x3FB9] =	sst s10  }
0x38: {  	s10 =	sld [smem:$0x3FBA]  }
0x39: {  	_ = 	snop;
	(pc) =	sbr.ind lr, $3  }
0x3a: {  	_ = 	snop  }
0x3b: {  	_ = 	snop  }
0x3c: {  	p2 =	seq.s32 s10, $0x1;
	s10 =	sld [smem:$0x3FB9]  }
0x3d: {  	_ =	shalt  }
0x3e: {  	_ =	shalt  }
0x3f: {  	_ =	shalt  }
0x40: {  	_ =	shalt  }
0x41: {  	_ =	shalt  }
0x42: {  	_ =	shalt  }
0x43: {  	_ =	shalt  }
0x44: {  	_ =	shalt  }
0x45: {  	_ =	shalt  }
0x46: {  	_ =	shalt  }
0x47: {  	_ =	shalt  }
0x48: {  	_ =	shalt  }
0x49: {  	_ =	shalt  }
0x4a: {  	_ =	shalt  }
0x4b: {  	_ =	shalt  }
0x4c: {  	_ =	shalt  }
0x4d: {  	_ =	shalt  }
0x4e: {  	_ =	shalt  }
0x4f: {  	_ =	shalt  }
0x50: {  	_ =	shalt  }
0x51: {  	_ =	shalt  }
0x52: {  	_ =	shalt  }
0x53: {  	_ =	shalt  }
0x54: {  	_ =	shalt  }
0x55: {  	_ =	shalt  }
0x56: {  	_ =	shalt  }
0x57: {  	_ =	shalt  }
0x58: {  	_ =	shalt  }
0x59: {  	_ =	shalt  }
0x5a: {  	_ =	shalt  }
0x5b: {  	_ =	shalt  }
0x5c: {  	_ =	shalt  }
0x5d: {  	_ =	shalt  }
0x5e: {  	_ =	shalt  }
0x5f: {  	_ =	shalt  }
0x60: {  	_ =	shalt  }
0x61: {  	_ =	shalt  }
0x62: {  	_ =	shalt  }
0x63: {  	_ =	shalt  }
0x64: {  	_ =	shalt  }
0x65: {  	_ =	shalt  }
0x66: {  	_ =	shalt  }
0x67: {  	_ =	shalt  }
0x68: {  	_ =	shalt  }
0x69: {  	_ =	shalt  }
0x6a: {  	_ =	shalt  }
0x6b: {  	_ =	shalt  }
0x6c: {  	_ =	shalt  }
0x6d: {  	_ =	shalt  }
0x6e: {  	_ =	shalt  }
0x6f: {  	_ =	shalt  }
0x70: {  	_ =	shalt  }
0x71: {  	_ =	shalt  }
0x72: {  	_ =	shalt  }
0x73: {  	_ =	shalt  }
0x74: {  	_ =	shalt  }
0x75: {  	_ =	shalt  }
0x76: {  	_ =	shalt  }
0x77: {  	_ =	shalt  }
0x78: {  	_ =	shalt  }
0x79: {  	_ =	shalt  }
0x7a: {  	_ =	shalt  }
0x7b: {  	_ =	shalt  }
0x7c: {  	_ =	shalt  }
0x7d: {  	_ =	shalt  }
0x7e: {  	_ =	shalt  }
0x7f: {  	_ =	shalt  }
0x80: {  	_ =	shalt  }
0x81: {  	_ =	shalt  }
0x82: {  	_ =	shalt  }
0x83: {  	_ =	shalt  }
0x84: {  	_ =	shalt  }
0x85: {  	_ =	shalt  }
0x86: {  	_ =	shalt  }
0x87: {  	_ =	shalt  }
.Lfunc_end0:
.L_simem_size_0:
called_computation.3_lowered:
.L_overlay_start_0:
0x88: {  	s2 =	sld [smem:$0x3FD9]  }
0x89: {  	s3 =	sld [smem:$0x3FFE];
	_ =	sdelay $0x1  }
0x8a: {  	s1 =	srdreg.scid  }
0x8b: {  	s0 =	sand.u32 $0x1, s1  }
0x8c: {  	s17 =	sshll.u32 s0, $0xA;
	s2 =	sadd.s32 s3, s2  }
0x8d: {  	s2 =	sadd.s32 s2, s17  }
0x8e: {  	[smem:$0x3FC5] =	sst s2  }
0x8f: {  	_ = 	snop  }
0x90: {  	(tm) =	ssettm $0x1  }
0x91: {  	s18 =	sld [smem:$0x3FFB];
	_ =	sdelay $0x3  }
0x92: {  	_ =	strace s18  }
0x93: {  	s2 =	sld [smem:$0x3FFC];
	_ =	sdelay $0x3  }
0x94: {  	_ =	strace s2  }
0x95: {  	s2 =	sld [smem:$0x3FFD];
	_ =	sdelay $0x3  }
0x96: {  	_ =	strace s2  }
0x97: {  	_ =	strace $0x8FFFFFFF  }
0x98: {  	s19 =	sld [smem:$0x3FDB];
	_ =	sdelay $0x1  }
0x99: {  	s20 =	simm.s32 $_scs_section_size  }
0x9a: {  	s4 =	simm.s32 $_size__tile_overlayer_lowered;
	s5 =	simm.s32 $_tile_overlayer_lowered  }
0x9b: {  	s6 =	simm.s32 $0x1BFF;
	s21 =	sshll.u32 s5, $0x1;
	s3 =	sadd.s32 s20, s19  }
0x9c: {  	s22 =	simm.s32 $0x0;
	s4 =	sshll.u32 s4, $0x1;
	s5 =	sadd.s32 s21, s3  }
0x9d: {  	[timem:s22], [sflag:s6] =	dma.local [hbm:s5], s4  }
0x9e: {  	_ =	swait.ge [sflag:s6], s4  }
0x9f: {  	s4 =	ssub.s32 $0x0, s4;
	[sflag:s6] =	ssyncset.done $0x0  }
0xa0: {  	[sflag:s6] =	ssyncadd.s32 s4;
	_ =	sdelay $0x1  }
0xa1: {  	s23 =	simm.s32 $0x1B8B  }
0xa2: {  	_ =	swait.ge [sflag:s23], $0x1  }
0xa3: {  	[sflag:s23] =	ssyncset.done $0x0  }
0xa4: {  	[sflag:s23] =	ssyncadd.s32 $0xFFFFFFFF  }
0xa5: {  	s4 =	sld [smem:$0x0]  }
0xa6: {  	s5 =	sand.u32 $0xFFFFFFFE, s1  }
0xa7: {  	p0 =	sne.s32 s1, s5  }
0xa8: {  	s5 =	sshll.u32 @p0 s5, $0xE  }
0xa9: {  	s5 =	sadd.s32 @p0 $0x11B8D, s5;
	s6 =	sshll.u32 @p0 s4, $0x11  }
0xaa: {  	s5 =	sor.u32 @p0 s6, s5  }
0xab: {  	[sflag:s5] =	ssyncadd.remote.s32 @p0 $0x1;
	_ =	sdelay $0x1  }
0xac: {  	s5 =	simm.s32 @p0 $0x1B8D  }
0xad: {  	_ =	swait.eq @p0 [sflag:s5], $0x1  }
0xae: {  	[sflag:s5] =	ssyncadd.s32 @p0 $0xFFFFFFFF  }
0xaf: {  	s6 =	sshll.u32 @!p0 s1, $0xE  }
0xb0: {  	s6 =	sor.u32 @!p0 $0x4000, s6;
	s5 =	simm.s32 @!p0 $0x1B8D  }
0xb1: {  	s4 =	sshll.u32 @!p0 s4, $0x11;
	s6 =	sadd.s32 @!p0 $0x11B8D, s6;
	_ =	swait.eq @!p0 [sflag:s5], $0x1  }
0xb2: {  	s4 =	sor.u32 @!p0 s4, s6;
	[sflag:s5] =	ssyncadd.s32 @!p0 $0xFFFFFFFF  }
0xb3: {  	s25 =	simm.s32 $0x1B8E;
	s24 =	sld [smem:$0x3FFE];
	[sflag:s4] =	ssyncadd.remote.s32 @!p0 $0x1  }
0xb4: {  	s26 =	simm.s32 $execute0_lowered;
	[smem:$0x3FD2] =	sst s25  }
0xb5: {  	s5 =	sshll.u32 s26, $0x1;
	_ =	strace $0x8000004F;
	[dreg:$0x1] =	wrdreg $0xFFFFFFFF  }
0xb6: {  	s28 =	simm.s32 $_size_execute0_lowered;
	s3 =	sadd.s32 s3, s5;
	[dreg:$0x0] =	wrdreg $0x0  }
0xb7: {  	s5 =	sshll.u32 s28, $0x1;
	[dreg:$0x2] =	wrdreg s3  }
0xb8: {  	[dreg:$0x3] =	wrdreg s5  }
0xb9: {  	[dreg:$0x4] =	wrdreg $0xC0  }
0xba: {  	_ =	task [dreg:s22], $0x5FFFF  }
0xbb: {  	[dreg:$0x1] =	wrdreg $0xFFFFFFFF  }
0xbc: {  	[dreg:$0x0] =	wrdreg $0x60  }
0xbd: {  	[dreg:$0x2] =	wrdreg s24  }
0xbe: {  	[dreg:$0x3] =	wrdreg $0xC  }
0xbf: {  	_ =	task.clear_ibuf [dreg:s22], $0x4FFFF;
	_ =	strace $0x9000004F  }
0xc0: {  	s29 =	simm.s32 $0xC;
	_ =	strace $0x80000051  }
0xc1: {  	_ =	swait.ge [sflag:s29], $0x1  }
0xc2: {  	[sflag:s29] =	ssyncadd.s32 $0xFFFFFFFF  }
0xc3: {  	_ =	strace $0x90000051  }
0xc4: {  	_ =	sfence  }
0xc5: {  	s30 =	sld [smem:$0x0];
	_ =	sdelay $0x2  }
0xc6: {  	s31 =	sshll.u32 s1, $0xD;
	s1 =	sshrl.u32 s1, $0x2  }
0xc7: {  	s4 =	sand.u32 $0x4000, s31;
	s1 =	sadd.s32 s1, s30  }
0xc8: {  	s0 =	sor.u32 s4, s0;
	s1 =	sshll.u32 s1, $0x11  }
0xc9: {  	s0 =	sor.u32 s1, s0  }
0xca: {  	s0 =	sadd.s32 $0x8F2B, s0  }
0xcb: {  	[sflag:s0] =	ssyncadd.remote.s32 $0x1  }
0xcc: {  	_ =	sfence.sel $0xFFFF  }
0xcd: {  	[dreg:$0x0] =	wrdreg $0xFFFFFFFF;
	(pc) =	sbr.abs _section_cstart, $3  }
0xce: {  	[dreg:$0x1] =	wrdreg $0xFFFFFFFF  }
0xcf: {  	_ =	task.clear_ibuf [dreg:s22], $0x2FFFF;
	_ =	strace $0x9FFFFFFF  }
0xd0: {  	(tm) =	ssettm $0x7FFFFFFF  }
0xd1: {  	_ =	shalt  }
tec
execute0_lowered:
.L_overlay_start_1:
0x0: {  	(tag) =	ssettag $0x1  }
0x1: {  	s1 =	srdreg.scid  }
0x2: {  	s0 =	stileid.u32;
	s4 =	rddreg [dreg:$0x0];
	s2 =	simm.s32 $0x0  }
0x3: {  	s10 =	simm.s32 $0x400;
	s11 =	simm.s32 $0x28;
	s12 =	simm.s32 $0x800  }
0x4: {  	s13 =	simm.s32 $0x1C00;
	s14 =	simm.s32 $0x1;
	s15 =	simm.s32 $0x2  }
0x5: {  	s5 =	sand.u32 $0x1, s1;
	s3 =	sshll.u32 s0, $0x1;
	s7 =	smul.u32 $0x7D00, s0  }
0x6: {  	s3 =	sor.u32 s5, s3;
	s8 =	ssub.s32 $0x2, s5;
	s5 =	smul.u32 $0x3E80, s5  }
0x7: {  	s16 =	simm.s32 $0x0;
	[smem:$0x7FF] =	sst s2;
	s6 =	smul.u32 $0x3E8, s3  }
0x8: {  	s1 =	rddreg [dreg:$0x1];
	_ =	strace $0x80000050;
	s7 =	sadd.s32 s7, s4  }
0x9: {  	s3 =	sadd.s32 $0x2600, s4;
	s9 =	sadd.s32 s5, s7;
	s6 =	sshrl.u32 s6, $0x3  }
0xa: {  	s31 =	sshrl.u32 s8, $0x1;
	s7 =	sadd.s32 $0x321800, s9;
	s6 =	sadd.s32 s6, s4  }
0xb: {  	s8 =	ssub.s32 s8, s31;
	s4 =	sadd.s32 $0x12A800, s6;
	s5 =	sadd.s32 $0x129800, s6  }
0xc: {  	s6 =	smax.u32 s8, $0x1;
	s8 =	sadd.s32 $0x39E800, s9;
	s9 =	simm.s32 $0x3  }
.LBB2_1:
0xd: {  	[tilespmem:s2], [sflag:$0x3] =	stream.linear.gather [hbm4b:s4+s2], $0x3E8, $0x38;
	[tilespmem:$0x3000] =	vst v63  }
0xe: {  	_ =	swait.ge [sflag:s9], $0x3E8  }
0xf: {  	[sflag:s9] =	ssyncset.done $0x0  }
0x10: {  	[sflag:s9] =	ssyncadd.s32 $0xFFFFFC18  }
0x11: {  	[tilespmem:s10], [sflag:$0x3] =	stream.linear.gather [hbm4b:s5+s2], $0x3E8, $0x38;
	[tilespmem:$0x3000] =	vst v63  }
0x12: {  	_ =	swait.ge [sflag:s9], $0x3E8  }
0x13: {  	[sflag:s9] =	ssyncset.done $0x0  }
0x14: {  	s17 =	simm.s32 $0x0;
	[sflag:s9] =	ssyncadd.s32 $0xFFFFFC18  }
0x15: {  	[tilespmem:s12], [sflag:$0x1] =	stream.indirect.gather [hbm4b:s3+s11], $0x80, s17, s11, $0xb8;
	[tilespmem:$0x3000] =	vst v63  }
0x16: {  	s31 =	simm.s32 $0x400  }
0x17: {  	[tilespmem:s13], [sflag:$0x2] =	stream.indirect.gather [hbm4b:s3+s11], $0x80, s31, s11, $0xb8;
	[tilespmem:$0x3000] =	vst v63  }
0x18: {  	_ =	swait.ge [sflag:s14], $0x1400  }
0x19: {  	[sflag:s14] =	ssyncset.done $0x0  }
0x1a: {  	[sflag:s14] =	ssyncadd.s32 $0xFFFFEC00  }
0x1b: {  	_ =	swait.ge [sflag:s15], $0x1400  }
0x1c: {  	[sflag:s15] =	ssyncset.done $0x0  }
0x1d: {  	[sflag:s15] =	ssyncadd.s32 $0xFFFFEC00  }
0x1e: {  	[hbm4b:s7+s2] =	stream.linear.scatter [tilespmem:s12], [sflag:$0x3], $0x1400, $0x38;
	[tilespmem:$0x3000] =	vst v63  }
0x1f: {  	_ =	swait.ge [sflag:s9], $0x1400  }
0x20: {  	[sflag:s9] =	ssyncset.done $0x0  }
0x21: {  	[sflag:s9] =	ssyncadd.s32 $0xFFFFEC00  }
0x22: {  	[hbm4b:s8+s2] =	stream.linear.scatter [tilespmem:s13], [sflag:$0x3], $0x1400, $0x38;
	[tilespmem:$0x3000] =	vst v63  }
0x23: {  	s19 =	simm.s32 $0xA0;
	s20 =	simm.s32 $0x140;
	_ =	swait.ge [sflag:s9], $0x1400  }
0x24: {  	s18 =	sadd.s32 $0x280, s7;
	s17 =	sadd.s32 $0x280, s8;
	[sflag:s9] =	ssyncset.done $0x0  }
.LBB2_2:
0x25: {  	s21 =	sshra.s32 s19, $0x2  }
0x26: {  	[sflag:s9] =	ssyncadd.s32 $0xFFFFEC00;
	s19 =	smov.u32 s20;
	s22 =	sadd.s32 $0xA0, s20  }
0x27: {  	[tilespmem:s12], [sflag:$0x1] =	stream.indirect.gather [hbm4b:s3+s11], $0x80, s21, s11, $0xb8;
	[tilespmem:$0x3000] =	vst v63  }
0x28: {  	p0 =	sne.s32 s20, $0xF00;
	s20 =	sadd.s32 $0x400, s21  }
0x29: {  	[tilespmem:s13], [sflag:$0x2] =	stream.indirect.gather [hbm4b:s3+s11], $0x80, s20, s11, $0xb8;
	[tilespmem:$0x3000] =	vst v63  }
0x2a: {  	_ =	swait.ge [sflag:s14], $0x1400  }
0x2b: {  	[sflag:s14] =	ssyncset.done $0x0  }
0x2c: {  	[sflag:s14] =	ssyncadd.s32 $0xFFFFEC00  }
0x2d: {  	_ =	swait.ge [sflag:s15], $0x1400  }
0x2e: {  	[sflag:s15] =	ssyncset.done $0x0  }
0x2f: {  	[sflag:s15] =	ssyncadd.s32 $0xFFFFEC00  }
0x30: {  	[hbm4b:s18+s2] =	stream.linear.scatter [tilespmem:s12], [sflag:$0x3], $0x1400, $0x38;
	[tilespmem:$0x3000] =	vst v63  }
0x31: {  	_ =	swait.ge [sflag:s9], $0x1400  }
.Ltmp0:
0x32: {  	[sflag:s9] =	ssyncset.done $0x0;
	(pc) =	sbr.rel @p0 .LBB2_2-.Ltmp0, $4  }
0x33: {  	[sflag:s9] =	ssyncadd.s32 $0xFFFFEC00  }
0x34: {  	[hbm4b:s17+s2] =	stream.linear.scatter [tilespmem:s13], [sflag:$0x3], $0x1400, $0x38;
	[tilespmem:$0x3000] =	vst v63  }
0x35: {  	s20 =	smov.u32 s22;
	_ =	swait.ge [sflag:s9], $0x1400  }
0x36: {  	s18 =	sadd.s32 $0x280, s18;
	s17 =	sadd.s32 $0x280, s17;
	[sflag:s9] =	ssyncset.done $0x0  }
0x37: {  	s19 =	sshra.s32 s19, $0x2;
	[sflag:s9] =	ssyncadd.s32 $0xFFFFEC00  }
0x38: {  	[tilespmem:s12], [sflag:$0x1] =	stream.indirect.gather [hbm4b:s3+s11], $0x80, s19, s11, $0xb8;
	[tilespmem:$0x3000] =	vst v63  }
0x39: {  	s19 =	sadd.s32 $0x400, s19  }
0x3a: {  	[tilespmem:s13], [sflag:$0x2] =	stream.indirect.gather [hbm4b:s3+s11], $0x80, s19, s11, $0xb8;
	[tilespmem:$0x3000] =	vst v63  }
0x3b: {  	_ =	swait.ge [sflag:s14], $0x1400  }
0x3c: {  	[sflag:s14] =	ssyncset.done $0x0  }
0x3d: {  	[sflag:s14] =	ssyncadd.s32 $0xFFFFEC00  }
0x3e: {  	_ =	swait.ge [sflag:s15], $0x1400  }
0x3f: {  	[sflag:s15] =	ssyncset.done $0x0  }
0x40: {  	[sflag:s15] =	ssyncadd.s32 $0xFFFFEC00  }
0x41: {  	[hbm4b:s18+s2] =	stream.linear.scatter [tilespmem:s12], [sflag:$0x3], $0x1400, $0x38;
	[tilespmem:$0x3000] =	vst v63  }
0x42: {  	s16 =	sadd.s32 $0x1, s16;
	_ =	swait.ge [sflag:s9], $0x1400  }
0x43: {  	p0 =	sne.s32 s16, s6;
	[sflag:s9] =	ssyncset.done $0x0  }
.Ltmp1:
0x44: {  	[sflag:s9] =	ssyncadd.s32 $0xFFFFEC00;
	(pc) =	sbr.rel @p0 .LBB2_1-.Ltmp1, $4  }
0x45: {  	[hbm4b:s17+s2] =	stream.linear.scatter [tilespmem:s13], [sflag:$0x3], $0x1400, $0x38;
	[tilespmem:$0x3000] =	vst v63  }
0x46: {  	_ =	swait.ge [sflag:s9], $0x1400  }
0x47: {  	[sflag:s9] =	ssyncset.done $0x0  }
0x48: {  	[sflag:s9] =	ssyncadd.s32 $0xFFFFEC00  }
0x49: {  	_ =	sfence.sel $0x180000  }
0x4a: {  	[bflag:$0x0] =	sbarrier.arrive $0xFFFF  }
0x4b: {  	p0 =	sne.s32 s0, $0x0;
	_ =	strace $0x90000050  }
0x4c: {  	s0 =	sadd.s32 @!p0 $0x100000, s1;
	[bflag:$0x2] =	sbarrier.arrive $0xFFFF  }
0x4d: {  	[sflag:s0] =	ssyncadd.tile.s32 @!p0 $0x1;
	_ =	shalt  }
.Lfunc_end2:
_tile_overlayer_lowered:
.L_overlay_start_2:
0x4e: {  	(tag) =	ssettag $0x2  }
0x4f: {  	s0 =	rddreg [dreg:$0x0];
	s2 =	stileid.u32  }
0x50: {  	s1 =	rddreg [dreg:$0x1];
	p0 =	sne.s32 s2, $0x0  }
0x51: {  	s3 =	rddreg [dreg:$0x2];
	[bflag:$0x3] =	sbarrier.arrive $0xFFFF;
	s2 =	simm.s32 @!p0 $0x1C03  }
0x52: {  	[timem:s3], [sflag:s2] =	dma.local @!p0 [hbm:s0], s1  }
0x53: {  	s0 =	simm.s32 @!p0 $0x3  }
0x54: {  	_ =	swait.ge @!p0 [sflag:s0], s1  }
0x55: {  	s1 =	ssub.s32 @!p0 $0x0, s1;
	[sflag:s0] =	ssyncset.done @!p0 $0x0  }
0x56: {  	[sflag:s0] =	ssyncadd.s32 @!p0 s1  }
0x57: {  	[bflag:$0x3] =	sbarrier.arrive $0xFFFF  }
0x58: {  	_ =	shalt  }

// kernel: kernel.24.cloned.1.call-start
scs
__scs_entry_jumppad:
0x0: {  	(pc) =	sbr.rel $0x88, $3  }
0x1: {  	(tag) =	ssettag $0x0;
	lr =	simm.s32 $0x1  }
0x2: {  	[smem:$0x3F9E] =	sst lr;
	_ =	strace $0xD0000000  }
0x3: {  	_ = 	snop  }
0x4: {  	_ = 	snop  }
0x5: {  	_ = 	snop  }
0x6: {  	_ = 	snop  }
0x7: {  	_ = 	snop  }
__scs_overlays_trampoline_lowered:
0x8: {  	[smem:$0x3FAD] =	sst s0  }
0x9: {  	[smem:$0x3FAE] =	sst s1  }
0xa: {  	[smem:$0x3FAF] =	sst s2  }
0xb: {  	[smem:$0x3FB0] =	sst s3  }
0xc: {  	[smem:$0x3FB1] =	sst s4  }
0xd: {  	[smem:$0x3FB2] =	sst s5  }
0xe: {  	[smem:$0x3FB3] =	sst s6  }
0xf: {  	[smem:$0x3FB4] =	sst s7  }
0x10: {  	[smem:$0x3FB5] =	sst s8  }
0x11: {  	[smem:$0x3FB6] =	sst s9;
	s0 =	simm.s32 @!p0 $0x0  }
0x12: {  	s1 =	sld [smem:$0x3F9C];
	s0 =	simm.s32 @p0 $0x1  }
0x13: {  	[smem:$0x3FB7] =	sst s0;
	s0 =	simm.s32 @!p1 $0x0  }
0x14: {  	s2 =	sld [smem:$0x3F9B];
	s0 =	simm.s32 @p1 $0x1  }
0x15: {  	[smem:$0x3FB8] =	sst s0;
	s0 =	simm.s32 @!p2 $0x0  }
0x16: {  	s3 =	sld [smem:$0x3FDB];
	s0 =	simm.s32 @p2 $0x1  }
0x17: {  	s4 =	simm.s32 $0x1BF5;
	[smem:$0x3FBA] =	sst s0  }
0x18: {  	s0 =	sld [smem:$0x3F9D];
	_ =	swait.ge [sflag:s4], $0x0  }
0x19: {  	s7 =	sld [smem:$0x3F9E]  }
0x1a: {  	s8 =	sadd.s32 $0xFFFFE003, lr  }
0x1b: {  	s9 =	sadd.s32 $0xFFFFFEF7, lr;
	s5 =	simm.s32 $0xFFFFFFFF;
	p2 =	slt.u32 s8, $0xFFFFF086  }
0x1c: {  	p1 =	slt.u32 s9, $0xF7A;
	s5 =	simm.s32 @!p2 $0x0  }
0x1d: {  	s5 =	simm.s32 @p1 $0x1;
	p0 =	seq.s32 s7, s2  }
0x1e: {  	s7 =	smul.u32 @!p0 $0xF7A, s2;
	p2 =	seq.s32 @!p0 s5, $0x0  }
0x1f: {  	s9 =	smul.u32 $0xF7A, s1;
	s8 =	simm.s32 @!p0 $0x1BF5;
	p2 =	por !p2, p0  }
0x20: {  	[sflag:s8] =	ssyncset.s32 @!p0 $0xFFFFF086;
	s6 =	sadd.s32 @!p0 s3, s7;
	s7 =	simm.s32 @!p0 $0x108  }
0x21: {  	s3 =	sadd.s32 s3, s9;
	s6 =	sadd.s32 @!p0 $0x88, s6;
	s7 =	simm.s32 @p2 $0x1082  }
0x22: {  	[simem:s7], [sflag:s8] =	dma.local @!p0 [hbm:s6], $0xF7A  }
0x23: {  	s9 =	sor.u32 $0xD0000000, s2;
	s6 =	simm.s32 $0x108;
	_ =	swait.ge @!p0 [sflag:s8], $0x0  }
0x24: {  	s3 =	sadd.s32 $0x88, s3;
	s6 =	simm.s32 @!p1 $0x1082;
	[sflag:s4] =	ssyncset.s32 $0xFFFFF086  }
0x25: {  	[simem:s6], [sflag:s4] =	dma.local [hbm:s3], $0xF7A  }
0x26: {  	[smem:$0x3F9E] =	sst s1;
	(tag) =	ssettag s2;
	_ =	strace s9  }
0x27: {  	s1 =	sld [smem:$0x3FAE]  }
0x28: {  	s2 =	sld [smem:$0x3FAF]  }
0x29: {  	s4 =	sld [smem:$0x3FB1]  }
0x2a: {  	p0 =	seq.s32 s5, $0x0;
	s5 =	sld [smem:$0x3FB2]  }
0x2b: {  	s6 =	sld [smem:$0x3FB3]  }
0x2c: {  	s7 =	sld [smem:$0x3FB4]  }
0x2d: {  	s3 =	simm.s32 $0x108;
	s8 =	sld [smem:$0x3FB5]  }
0x2e: {  	s3 =	simm.s32 @!p0 $0x1082;
	s9 =	sld [smem:$0x3FB6]  }
0x2f: {  	lr =	sadd.s32 s0, s3;
	s0 =	sld [smem:$0x3FAD]  }
0x30: {  	s3 =	sld [smem:$0x3FB0]  }
0x31: {  	[smem:$0x3FB9] =	sst s10  }
0x32: {  	s10 =	sld [smem:$0x3FB7];
	_ =	sdelay $0x3  }
0x33: {  	p0 =	seq.s32 s10, $0x1;
	s10 =	sld [smem:$0x3FB9];
	_ =	sdelay $0x3  }
0x34: {  	[smem:$0x3FB9] =	sst s10  }
0x35: {  	s10 =	sld [smem:$0x3FB8];
	_ =	sdelay $0x3  }
0x36: {  	p1 =	seq.s32 s10, $0x1;
	s10 =	sld [smem:$0x3FB9];
	_ =	sdelay $0x3  }
0x37: {  	[smem:$0x3FB9] =	sst s10  }
0x38: {  	s10 =	sld [smem:$0x3FBA]  }
0x39: {  	_ = 	snop;
	(pc) =	sbr.ind lr, $3  }
0x3a: {  	_ = 	snop  }
0x3b: {  	_ = 	snop  }
0x3c: {  	p2 =	seq.s32 s10, $0x1;
	s10 =	sld [smem:$0x3FB9]  }
0x3d: {  	_ =	shalt  }
0x3e: {  	_ =	shalt  }
0x3f: {  	_ =	shalt  }
0x40: {  	_ =	shalt  }
0x41: {  	_ =	shalt  }
0x42: {  	_ =	shalt  }
0x43: {  	_ =	shalt  }
0x44: {  	_ =	shalt  }
0x45: {  	_ =	shalt  }
0x46: {  	_ =	shalt  }
0x47: {  	_ =	shalt  }
0x48: {  	_ =	shalt  }
0x49: {  	_ =	shalt  }
0x4a: {  	_ =	shalt  }
0x4b: {  	_ =	shalt  }
0x4c: {  	_ =	shalt  }
0x4d: {  	_ =	shalt  }
0x4e: {  	_ =	shalt  }
0x4f: {  	_ =	shalt  }
0x50: {  	_ =	shalt  }
0x51: {  	_ =	shalt  }
0x52: {  	_ =	shalt  }
0x53: {  	_ =	shalt  }
0x54: {  	_ =	shalt  }
0x55: {  	_ =	shalt  }
0x56: {  	_ =	shalt  }
0x57: {  	_ =	shalt  }
0x58: {  	_ =	shalt  }
0x59: {  	_ =	shalt  }
0x5a: {  	_ =	shalt  }
0x5b: {  	_ =	shalt  }
0x5c: {  	_ =	shalt  }
0x5d: {  	_ =	shalt  }
0x5e: {  	_ =	shalt  }
0x5f: {  	_ =	shalt  }
0x60: {  	_ =	shalt  }
0x61: {  	_ =	shalt  }
0x62: {  	_ =	shalt  }
0x63: {  	_ =	shalt  }
0x64: {  	_ =	shalt  }
0x65: {  	_ =	shalt  }
0x66: {  	_ =	shalt  }
0x67: {  	_ =	shalt  }
0x68: {  	_ =	shalt  }
0x69: {  	_ =	shalt  }
0x6a: {  	_ =	shalt  }
0x6b: {  	_ =	shalt  }
0x6c: {  	_ =	shalt  }
0x6d: {  	_ =	shalt  }
0x6e: {  	_ =	shalt  }
0x6f: {  	_ =	shalt  }
0x70: {  	_ =	shalt  }
0x71: {  	_ =	shalt  }
0x72: {  	_ =	shalt  }
0x73: {  	_ =	shalt  }
0x74: {  	_ =	shalt  }
0x75: {  	_ =	shalt  }
0x76: {  	_ =	shalt  }
0x77: {  	_ =	shalt  }
0x78: {  	_ =	shalt  }
0x79: {  	_ =	shalt  }
0x7a: {  	_ =	shalt  }
0x7b: {  	_ =	shalt  }
0x7c: {  	_ =	shalt  }
0x7d: {  	_ =	shalt  }
0x7e: {  	_ =	shalt  }
0x7f: {  	_ =	shalt  }
0x80: {  	_ =	shalt  }
0x81: {  	_ =	shalt  }
0x82: {  	_ =	shalt  }
0x83: {  	_ =	shalt  }
0x84: {  	_ =	shalt  }
0x85: {  	_ =	shalt  }
0x86: {  	_ =	shalt  }
0x87: {  	_ =	shalt  }
.Lfunc_end0:
.L_simem_size_0:
called_computation.4_lowered:
.L_overlay_start_0:
0x88: {  	s2 =	sld [smem:$0x3FD9]  }
0x89: {  	s3 =	sld [smem:$0x3FFE];
	_ =	sdelay $0x1  }
0x8a: {  	s1 =	srdreg.scid  }
0x8b: {  	s0 =	sand.u32 $0x1, s1  }
0x8c: {  	s17 =	sshll.u32 s0, $0xA;
	s2 =	sadd.s32 s3, s2  }
0x8d: {  	s2 =	sadd.s32 s2, s17  }
0x8e: {  	[smem:$0x3FC5] =	sst s2  }
0x8f: {  	_ = 	snop  }
0x90: {  	(tm) =	ssettm $0x1  }
0x91: {  	s18 =	sld [smem:$0x3FFB];
	_ =	sdelay $0x3  }
0x92: {  	_ =	strace s18  }
0x93: {  	s2 =	sld [smem:$0x3FFC];
	_ =	sdelay $0x3  }
0x94: {  	_ =	strace s2  }
0x95: {  	s2 =	sld [smem:$0x3FFD];
	_ =	sdelay $0x3  }
0x96: {  	_ =	strace s2  }
0x97: {  	_ =	strace $0x8FFFFFFF  }
0x98: {  	s19 =	sld [smem:$0x3FDB];
	_ =	sdelay $0x1  }
0x99: {  	s20 =	simm.s32 $_scs_section_size  }
0x9a: {  	s4 =	simm.s32 $_size__tile_overlayer_lowered;
	s5 =	simm.s32 $_tile_overlayer_lowered  }
0x9b: {  	s6 =	simm.s32 $0x1BFF;
	s21 =	sshll.u32 s5, $0x1;
	s3 =	sadd.s32 s20, s19  }
0x9c: {  	s22 =	simm.s32 $0x0;
	s4 =	sshll.u32 s4, $0x1;
	s5 =	sadd.s32 s21, s3  }
0x9d: {  	[timem:s22], [sflag:s6] =	dma.local [hbm:s5], s4  }
0x9e: {  	_ =	swait.ge [sflag:s6], s4  }
0x9f: {  	s4 =	ssub.s32 $0x0, s4;
	[sflag:s6] =	ssyncset.done $0x0  }
0xa0: {  	[sflag:s6] =	ssyncadd.s32 s4;
	_ =	sdelay $0x1  }
0xa1: {  	s23 =	simm.s32 $0x1B8B  }
0xa2: {  	_ =	swait.ge [sflag:s23], $0x1  }
0xa3: {  	[sflag:s23] =	ssyncset.done $0x0  }
0xa4: {  	[sflag:s23] =	ssyncadd.s32 $0xFFFFFFFF  }
0xa5: {  	s4 =	sld [smem:$0x0]  }
0xa6: {  	s5 =	sand.u32 $0xFFFFFFFE, s1  }
0xa7: {  	p0 =	sne.s32 s1, s5  }
0xa8: {  	s5 =	sshll.u32 @p0 s5, $0xE  }
0xa9: {  	s5 =	sadd.s32 @p0 $0x11B8D, s5;
	s6 =	sshll.u32 @p0 s4, $0x11  }
0xaa: {  	s5 =	sor.u32 @p0 s6, s5  }
0xab: {  	[sflag:s5] =	ssyncadd.remote.s32 @p0 $0x1;
	_ =	sdelay $0x1  }
0xac: {  	s5 =	simm.s32 @p0 $0x1B8D  }
0xad: {  	_ =	swait.eq @p0 [sflag:s5], $0x1  }
0xae: {  	[sflag:s5] =	ssyncadd.s32 @p0 $0xFFFFFFFF  }
0xaf: {  	s6 =	sshll.u32 @!p0 s1, $0xE  }
0xb0: {  	s6 =	sor.u32 @!p0 $0x4000, s6;
	s5 =	simm.s32 @!p0 $0x1B8D  }
0xb1: {  	s4 =	sshll.u32 @!p0 s4, $0x11;
	s6 =	sadd.s32 @!p0 $0x11B8D, s6;
	_ =	swait.eq @!p0 [sflag:s5], $0x1  }
0xb2: {  	s4 =	sor.u32 @!p0 s4, s6;
	[sflag:s5] =	ssyncadd.s32 @!p0 $0xFFFFFFFF  }
0xb3: {  	s25 =	simm.s32 $0x1B8E;
	s24 =	sld [smem:$0x3FFE];
	[sflag:s4] =	ssyncadd.remote.s32 @!p0 $0x1  }
0xb4: {  	s26 =	simm.s32 $execute0_lowered;
	[smem:$0x3FD2] =	sst s25  }
0xb5: {  	s5 =	sshll.u32 s26, $0x1;
	_ =	strace $0x80000052;
	[dreg:$0x1] =	wrdreg $0xFFFFFFFF  }
0xb6: {  	s28 =	simm.s32 $_size_execute0_lowered;
	s3 =	sadd.s32 s3, s5;
	[dreg:$0x0] =	wrdreg $0x0  }
0xb7: {  	s5 =	sshll.u32 s28, $0x1;
	[dreg:$0x2] =	wrdreg s3  }
0xb8: {  	[dreg:$0x3] =	wrdreg s5  }
0xb9: {  	[dreg:$0x4] =	wrdreg $0xC0  }
0xba: {  	_ =	task [dreg:s22], $0x5FFFF  }
0xbb: {  	[dreg:$0x1] =	wrdreg $0xFFFFFFFF  }
0xbc: {  	[dreg:$0x0] =	wrdreg $0x60  }
0xbd: {  	[dreg:$0x2] =	wrdreg s24  }
0xbe: {  	[dreg:$0x3] =	wrdreg $0xD  }
0xbf: {  	_ =	task.clear_ibuf [dreg:s22], $0x4FFFF;
	_ =	strace $0x90000052  }
0xc0: {  	s29 =	simm.s32 $0xD;
	_ =	strace $0x80000054  }
0xc1: {  	_ =	swait.ge [sflag:s29], $0x1  }
0xc2: {  	[sflag:s29] =	ssyncadd.s32 $0xFFFFFFFF  }
0xc3: {  	_ =	strace $0x90000054  }
0xc4: {  	_ =	sfence  }
0xc5: {  	s30 =	sld [smem:$0x0];
	_ =	sdelay $0x2  }
0xc6: {  	s31 =	sshll.u32 s1, $0xD;
	s1 =	sshrl.u32 s1, $0x2  }
0xc7: {  	s4 =	sand.u32 $0x4000, s31;
	s1 =	sadd.s32 s1, s30  }
0xc8: {  	s0 =	sor.u32 s4, s0;
	s1 =	sshll.u32 s1, $0x11  }
0xc9: {  	s0 =	sor.u32 s1, s0  }
0xca: {  	s0 =	sadd.s32 $0x8F2B, s0  }
0xcb: {  	[sflag:s0] =	ssyncadd.remote.s32 $0x1  }
0xcc: {  	_ =	sfence.sel $0xFFFF  }
0xcd: {  	[dreg:$0x0] =	wrdreg $0xFFFFFFFF;
	(pc) =	sbr.abs _section_cstart, $3  }
0xce: {  	[dreg:$0x1] =	wrdreg $0xFFFFFFFF  }
0xcf: {  	_ =	task.clear_ibuf [dreg:s22], $0x2FFFF;
	_ =	strace $0x9FFFFFFF  }
0xd0: {  	(tm) =	ssettm $0x7FFFFFFF  }
0xd1: {  	_ =	shalt  }
tec
execute0_lowered:
.L_overlay_start_1:
0x0: {  	(tag) =	ssettag $0x1  }
0x1: {  	s1 =	srdreg.scid  }
0x2: {  	s0 =	stileid.u32;
	s4 =	rddreg [dreg:$0x0];
	s2 =	simm.s32 $0x0  }
0x3: {  	s10 =	simm.s32 $0x400;
	s11 =	simm.s32 $0x28;
	s12 =	simm.s32 $0x800  }
0x4: {  	s13 =	simm.s32 $0x1C00;
	s14 =	simm.s32 $0x1;
	s15 =	simm.s32 $0x2  }
0x5: {  	s5 =	sand.u32 $0x1, s1;
	s3 =	sshll.u32 s0, $0x1;
	s7 =	smul.u32 $0x7D00, s0  }
0x6: {  	s3 =	sor.u32 s5, s3;
	s8 =	ssub.s32 $0x2, s5;
	s5 =	smul.u32 $0x3E80, s5  }
0x7: {  	s16 =	simm.s32 $0x0;
	[smem:$0x7FF] =	sst s2;
	s6 =	smul.u32 $0x3E8, s3  }
0x8: {  	s1 =	rddreg [dreg:$0x1];
	_ =	strace $0x80000053;
	s7 =	sadd.s32 s7, s4  }
0x9: {  	s3 =	sadd.s32 $0x2600, s4;
	s9 =	sadd.s32 s5, s7;
	s6 =	sshrl.u32 s6, $0x3  }
0xa: {  	s31 =	sshrl.u32 s8, $0x1;
	s7 =	sadd.s32 $0x41B800, s9;
	s6 =	sadd.s32 s6, s4  }
0xb: {  	s8 =	ssub.s32 s8, s31;
	s4 =	sadd.s32 $0x12C800, s6;
	s5 =	sadd.s32 $0x12B800, s6  }
0xc: {  	s6 =	smax.u32 s8, $0x1;
	s8 =	sadd.s32 $0x498800, s9;
	s9 =	simm.s32 $0x3  }
.LBB2_1:
0xd: {  	[tilespmem:s2], [sflag:$0x3] =	stream.linear.gather [hbm4b:s4+s2], $0x3E8, $0x38;
	[tilespmem:$0x3000] =	vst v63  }
0xe: {  	_ =	swait.ge [sflag:s9], $0x3E8  }
0xf: {  	[sflag:s9] =	ssyncset.done $0x0  }
0x10: {  	[sflag:s9] =	ssyncadd.s32 $0xFFFFFC18  }
0x11: {  	[tilespmem:s10], [sflag:$0x3] =	stream.linear.gather [hbm4b:s5+s2], $0x3E8, $0x38;
	[tilespmem:$0x3000] =	vst v63  }
0x12: {  	_ =	swait.ge [sflag:s9], $0x3E8  }
0x13: {  	[sflag:s9] =	ssyncset.done $0x0  }
0x14: {  	s17 =	simm.s32 $0x0;
	[sflag:s9] =	ssyncadd.s32 $0xFFFFFC18  }
0x15: {  	[tilespmem:s12], [sflag:$0x1] =	stream.indirect.gather [hbm4b:s3+s11], $0x80, s17, s11, $0xb8;
	[tilespmem:$0x3000] =	vst v63  }
0x16: {  	s31 =	simm.s32 $0x400  }
0x17: {  	[tilespmem:s13], [sflag:$0x2] =	stream.indirect.gather [hbm4b:s3+s11], $0x80, s31, s11, $0xb8;
	[tilespmem:$0x3000] =	vst v63  }
0x18: {  	_ =	swait.ge [sflag:s14], $0x1400  }
0x19: {  	[sflag:s14] =	ssyncset.done $0x0  }
0x1a: {  	[sflag:s14] =	ssyncadd.s32 $0xFFFFEC00  }
0x1b: {  	_ =	swait.ge [sflag:s15], $0x1400  }
0x1c: {  	[sflag:s15] =	ssyncset.done $0x0  }
0x1d: {  	[sflag:s15] =	ssyncadd.s32 $0xFFFFEC00  }
0x1e: {  	[hbm4b:s7+s2] =	stream.linear.scatter [tilespmem:s12], [sflag:$0x3], $0x1400, $0x38;
	[tilespmem:$0x3000] =	vst v63  }
0x1f: {  	_ =	swait.ge [sflag:s9], $0x1400  }
0x20: {  	[sflag:s9] =	ssyncset.done $0x0  }
0x21: {  	[sflag:s9] =	ssyncadd.s32 $0xFFFFEC00  }
0x22: {  	[hbm4b:s8+s2] =	stream.linear.scatter [tilespmem:s13], [sflag:$0x3], $0x1400, $0x38;
	[tilespmem:$0x3000] =	vst v63  }
0x23: {  	s19 =	simm.s32 $0xA0;
	s20 =	simm.s32 $0x140;
	_ =	swait.ge [sflag:s9], $0x1400  }
0x24: {  	s18 =	sadd.s32 $0x280, s7;
	s17 =	sadd.s32 $0x280, s8;
	[sflag:s9] =	ssyncset.done $0x0  }
.LBB2_2:
0x25: {  	s21 =	sshra.s32 s19, $0x2  }
0x26: {  	[sflag:s9] =	ssyncadd.s32 $0xFFFFEC00;
	s19 =	smov.u32 s20;
	s22 =	sadd.s32 $0xA0, s20  }
0x27: {  	[tilespmem:s12], [sflag:$0x1] =	stream.indirect.gather [hbm4b:s3+s11], $0x80, s21, s11, $0xb8;
	[tilespmem:$0x3000] =	vst v63  }
0x28: {  	p0 =	sne.s32 s20, $0xF00;
	s20 =	sadd.s32 $0x400, s21  }
0x29: {  	[tilespmem:s13], [sflag:$0x2] =	stream.indirect.gather [hbm4b:s3+s11], $0x80, s20, s11, $0xb8;
	[tilespmem:$0x3000] =	vst v63  }
0x2a: {  	_ =	swait.ge [sflag:s14], $0x1400  }
0x2b: {  	[sflag:s14] =	ssyncset.done $0x0  }
0x2c: {  	[sflag:s14] =	ssyncadd.s32 $0xFFFFEC00  }
0x2d: {  	_ =	swait.ge [sflag:s15], $0x1400  }
0x2e: {  	[sflag:s15] =	ssyncset.done $0x0  }
0x2f: {  	[sflag:s15] =	ssyncadd.s32 $0xFFFFEC00  }
0x30: {  	[hbm4b:s18+s2] =	stream.linear.scatter [tilespmem:s12], [sflag:$0x3], $0x1400, $0x38;
	[tilespmem:$0x3000] =	vst v63  }
0x31: {  	_ =	swait.ge [sflag:s9], $0x1400  }
.Ltmp0:
0x32: {  	[sflag:s9] =	ssyncset.done $0x0;
	(pc) =	sbr.rel @p0 .LBB2_2-.Ltmp0, $4  }
0x33: {  	[sflag:s9] =	ssyncadd.s32 $0xFFFFEC00  }
0x34: {  	[hbm4b:s17+s2] =	stream.linear.scatter [tilespmem:s13], [sflag:$0x3], $0x1400, $0x38;
	[tilespmem:$0x3000] =	vst v63  }
0x35: {  	s20 =	smov.u32 s22;
	_ =	swait.ge [sflag:s9], $0x1400  }
0x36: {  	s18 =	sadd.s32 $0x280, s18;
	s17 =	sadd.s32 $0x280, s17;
	[sflag:s9] =	ssyncset.done $0x0  }
0x37: {  	s19 =	sshra.s32 s19, $0x2;
	[sflag:s9] =	ssyncadd.s32 $0xFFFFEC00  }
0x38: {  	[tilespmem:s12], [sflag:$0x1] =	stream.indirect.gather [hbm4b:s3+s11], $0x80, s19, s11, $0xb8;
	[tilespmem:$0x3000] =	vst v63  }
0x39: {  	s19 =	sadd.s32 $0x400, s19  }
0x3a: {  	[tilespmem:s13], [sflag:$0x2] =	stream.indirect.gather [hbm4b:s3+s11], $0x80, s19, s11, $0xb8;
	[tilespmem:$0x3000] =	vst v63  }
0x3b: {  	_ =	swait.ge [sflag:s14], $0x1400  }
0x3c: {  	[sflag:s14] =	ssyncset.done $0x0  }
0x3d: {  	[sflag:s14] =	ssyncadd.s32 $0xFFFFEC00  }
0x3e: {  	_ =	swait.ge [sflag:s15], $0x1400  }
0x3f: {  	[sflag:s15] =	ssyncset.done $0x0  }
0x40: {  	[sflag:s15] =	ssyncadd.s32 $0xFFFFEC00  }
0x41: {  	[hbm4b:s18+s2] =	stream.linear.scatter [tilespmem:s12], [sflag:$0x3], $0x1400, $0x38;
	[tilespmem:$0x3000] =	vst v63  }
0x42: {  	s16 =	sadd.s32 $0x1, s16;
	_ =	swait.ge [sflag:s9], $0x1400  }
0x43: {  	p0 =	sne.s32 s16, s6;
	[sflag:s9] =	ssyncset.done $0x0  }
.Ltmp1:
0x44: {  	[sflag:s9] =	ssyncadd.s32 $0xFFFFEC00;
	(pc) =	sbr.rel @p0 .LBB2_1-.Ltmp1, $4  }
0x45: {  	[hbm4b:s17+s2] =	stream.linear.scatter [tilespmem:s13], [sflag:$0x3], $0x1400, $0x38;
	[tilespmem:$0x3000] =	vst v63  }
0x46: {  	_ =	swait.ge [sflag:s9], $0x1400  }
0x47: {  	[sflag:s9] =	ssyncset.done $0x0  }
0x48: {  	[sflag:s9] =	ssyncadd.s32 $0xFFFFEC00  }
0x49: {  	_ =	sfence.sel $0x180000  }
0x4a: {  	[bflag:$0x0] =	sbarrier.arrive $0xFFFF  }
0x4b: {  	p0 =	sne.s32 s0, $0x0;
	_ =	strace $0x90000053  }
0x4c: {  	s0 =	sadd.s32 @!p0 $0x100000, s1;
	[bflag:$0x2] =	sbarrier.arrive $0xFFFF  }
0x4d: {  	[sflag:s0] =	ssyncadd.tile.s32 @!p0 $0x1;
	_ =	shalt  }
.Lfunc_end2:
_tile_overlayer_lowered:
.L_overlay_start_2:
0x4e: {  	(tag) =	ssettag $0x2  }
0x4f: {  	s0 =	rddreg [dreg:$0x0];
	s2 =	stileid.u32  }
0x50: {  	s1 =	rddreg [dreg:$0x1];
	p0 =	sne.s32 s2, $0x0  }
0x51: {  	s3 =	rddreg [dreg:$0x2];
	[bflag:$0x3] =	sbarrier.arrive $0xFFFF;
	s2 =	simm.s32 @!p0 $0x1C03  }
0x52: {  	[timem:s3], [sflag:s2] =	dma.local @!p0 [hbm:s0], s1  }
0x53: {  	s0 =	simm.s32 @!p0 $0x3  }
0x54: {  	_ =	swait.ge @!p0 [sflag:s0], s1  }
0x55: {  	s1 =	ssub.s32 @!p0 $0x0, s1;
	[sflag:s0] =	ssyncset.done @!p0 $0x0  }
0x56: {  	[sflag:s0] =	ssyncadd.s32 @!p0 s1  }
0x57: {  	[bflag:$0x3] =	sbarrier.arrive $0xFFFF  }
0x58: {  	_ =	shalt  }

</sc_bundles>
